<compile_context>
chip_gen: v7x
topology: tpu7x:2x2x1
jax: 0.10.2.dev20260603
libtpu: 0.0.44.dev20260713+nightly
codegen_flags: <defaults>
</compile_context>

<pallas_src>
import functools

import jax
import jax.numpy as jnp
from jax import lax
from jax.experimental import pallas as pl
from jax.experimental.pallas import tpu as pltpu
from jax.experimental.pallas import tpu_sc as plsc

B, V, N = 32, 4, 8192
H = W = 800
WPR = W // 32
BROWS = V * WPR

PB = 8



def _pack_body(wlo_ref, whi_ref, img_ref, bits_ref):
    for v in range(V):
        m = img_ref[0, v]
        lo = lax.dot_general(
            wlo_ref[...], m, (((1,), (0,)), ((), ())),
            preferred_element_type=jnp.float32,
        )
        hi = lax.dot_general(
            whi_ref[...], m, (((1,), (0,)), ((), ())),
            preferred_element_type=jnp.float32,
        )
        words = lo.astype(jnp.int32) | (hi.astype(jnp.int32) << 16)
        bits_ref[0, v] = words


def _pack(img_seg):
    j = jnp.arange(H)
    c = j >> 5
    s = j & 31
    onehot = (jnp.arange(WPR)[:, None] == c[None, :]).astype(jnp.float32)
    wlo = onehot * jnp.where(s < 16, 2.0 ** s, 0.0)[None, :]
    whi = onehot * jnp.where(s >= 16, 2.0 ** (s - 16), 0.0)[None, :]
    calls = []
    for k in range(B // PB):
        calls.append(pl.pallas_call(
            _pack_body,
            grid=(PB,),
            in_specs=[
                pl.BlockSpec((WPR, H), lambda b: (0, 0)),
                pl.BlockSpec((WPR, H), lambda b: (0, 0)),
                pl.BlockSpec((1, V, H, W), lambda b, k=k: (k * PB + b, 0, 0, 0)),
            ],
            out_specs=pl.BlockSpec((1, V, WPR, H), lambda b: (b, 0, 0, 0)),
            out_shape=jax.ShapeDtypeStruct((PB, V, WPR, H), jnp.int32),
        )(wlo.astype(jnp.float32), whi.astype(jnp.float32), img_seg))
    return calls


BB = 8
GRID = B // BB
ROWS = BB * V


def _proj_body(e_ref, kbd_ref, pc_ref, idx_ref):
    ones = jnp.ones((1, N), jnp.float32)
    parts = []
    for bp in range(BB):
        parts.append(pc_ref[bp])
        parts.append(ones)
    hom = jnp.concatenate(parts, axis=0)
    e = e_ref[0]
    pt = lax.dot_general(
        e, hom, (((1,), (0,)), ((), ())),
        preferred_element_type=jnp.float32,
    )
    p2 = lax.dot_general(
        kbd_ref[...], pt, (((1,), (0,)), ((), ())),
        preferred_element_type=jnp.float32,
    )
    px = p2[0:ROWS]
    py = p2[ROWS:2 * ROWS]
    pz = p2[2 * ROWS:3 * ROWS]
    xs = px / pz
    ys = py / pz
    xi = jnp.clip(jnp.round(xs).astype(jnp.int32), 0, W - 1)
    yi = jnp.clip(jnp.round(ys).astype(jnp.int32), 0, H - 1)
    vv = lax.broadcasted_iota(jnp.int32, (ROWS, N), 0) & 3
    brow = vv * WPR + (yi >> 5)
    idx_ref[...] = (brow << 15) | (xi << 5) | (yi & 31)


def _project(point_cloud, K, ext_trans):
    ext_r = ext_trans.reshape(GRID, BB, V, 3, 4)
    eye = jnp.eye(BB, dtype=ext_trans.dtype)
    e_all = jnp.einsum("gbvij,bc->gibvcj", ext_r, eye)
    e_all = e_all.reshape(GRID, 3 * ROWS, 4 * BB)
    kbd = jnp.kron(K, jnp.eye(ROWS, dtype=K.dtype))
    return pl.pallas_call(
        _proj_body,
        grid=(GRID,),
        in_specs=[
            pl.BlockSpec((1, 3 * ROWS, 4 * BB), lambda g: (g, 0, 0)),
            pl.BlockSpec((3 * ROWS, 3 * ROWS), lambda g: (0, 0)),
            pl.BlockSpec((BB, 3, N), lambda g: (g, 0, 0)),
        ],
        out_specs=pl.BlockSpec((ROWS, N), lambda g: (g, 0)),
        out_shape=jax.ShapeDtypeStruct((B * V, N), jnp.int32),
    )(e_all, kbd, point_cloud)


NC = 2
NW = 32


def _make_sc_body(k):
    def _sc_gather_body(bits_hbm, idx_hbm, out_hbm, slab_v, pv, ov, sem):
        wid = lax.axis_index("s") * NC + lax.axis_index("c")
        bl = wid >> 2
        v = wid & 3
        pltpu.sync_copy(bits_hbm.at[bl, v], slab_v)
        row = k * PB * V + wid
        pltpu.sync_copy(idx_hbm.at[row], pv)
        voff = v * WPR

        def body(i, c):
            o = i * 16
            p = pv[pl.ds(o, 16)]
            w = plsc.load_gather(slab_v, [(p >> 15) - voff, (p >> 5) & 1023])
            bit = (w >> (p & 31)) & 1
            ov[pl.ds(o, 16)] = bit.astype(jnp.float32)
            return c

        lax.fori_loop(0, N // 16, body, 0)
        pltpu.sync_copy(ov, out_hbm.at[wid])

    return _sc_gather_body


@functools.cache
def _sc_gather(k):
    mesh = plsc.VectorSubcoreMesh(core_axis_name="c", subcore_axis_name="s")
    return pl.kernel(
        _make_sc_body(k),
        out_type=jax.ShapeDtypeStruct((PB * V, N), jnp.float32),
        mesh=mesh,
        compiler_params=pltpu.CompilerParams(needs_layout_passes=False),
        scratch_types=[
            pltpu.VMEM((WPR, H), jnp.int32),
            pltpu.VMEM((N,), jnp.int32),
            pltpu.VMEM((N,), jnp.float32),
            pltpu.SemaphoreType.DMA,
        ],
    )


def kernel(point_cloud, img_seg, K, ext_trans):
    idx = _project(point_cloud, K, ext_trans)
    outs = []
    for k, bits_k in enumerate(_pack(img_seg)):
        outs.append(_sc_gather(k)(bits_k, idx))
    vals = jnp.concatenate(outs, axis=0)
    return vals.reshape(B, V, N).astype(bool)

# --- scband reference (transcript-rebuilt; emitter-appended) ---
"""Pipeline reference for scband-projector-66984309948662 (READ-ONLY COPY).

The authoritative reference and input builder live on the scoring server;
editing this copy changes nothing except your own understanding.
"""

import jax, jax.numpy as jnp
import numpy as np
import math


def _look_at(origin, target=(0.0, 0.0, 0.0), up=(0.0, 1.0, 0.0)):
    # Reimplementation of mitsuba Transform4f.look_at (camera-to-world),
    # then inverted and with row 2 negated, as in get_camera_extrinsics.
    origin = np.asarray(origin, dtype=np.float64)
    target = np.asarray(target, dtype=np.float64)
    up = np.asarray(up, dtype=np.float64)
    d = target - origin
    d = d / np.linalg.norm(d)
    left = np.cross(up, d)
    left = left / np.linalg.norm(left)
    new_up = np.cross(d, left)
    M = np.eye(4, dtype=np.float64)
    M[:3, 0] = left
    M[:3, 1] = new_up
    M[:3, 2] = d
    M[:3, 3] = origin
    views = np.linalg.inv(M)
    views[2, :] = -views[2, :]
    return views[:3, :]


def _intrinsics(vfov=25, img_width=800, img_height=800):
    hfov = vfov * img_width / img_height
    fy = img_height * 0.5 / math.tan(vfov * 0.5 * math.pi / 180)
    fx = img_width * 0.5 / math.tan(hfov * 0.5 * math.pi / 180)
    Ox = img_width / 2.0
    Oy = img_height / 2.0
    return np.array([[fx, 0, Ox], [0, fy, Oy], [0, 0, 1]], dtype=np.float32)


def setup_inputs(seed: int = 0) -> dict:
    key = jax.random.key(seed)
    k1, k2 = jax.random.split(key)
    B, N, V, H, W = 32, 8192, 4, 800, 800
    point_cloud = jax.random.normal(k1, (B, 3, N), dtype=jnp.float32)
    img_seg = jax.random.randint(k2, (B, V, H, W), 0, 2).astype(jnp.float32)
    K = jnp.asarray(_intrinsics(25, W, H))
    origin_list = [[3, 3, 3], [3, 3, -3], [-3, 3, -3], [-3, 3, 3]]
    ext = np.stack([_look_at(o) for o in origin_list]).astype(np.float32)
    ext_trans = jnp.broadcast_to(jnp.asarray(ext)[None], (B, V, 3, 4))
    return {"point_cloud": point_cloud, "img_seg": img_seg, "K": K, "ext_trans": ext_trans}


def reference(point_cloud, img_seg, K, ext_trans):
    B, _, N = point_cloud.shape
    V = ext_trans.shape[1]
    H, W = img_seg.shape[-2], img_seg.shape[-1]
    # project_points_to_image
    hom = jnp.concatenate([point_cloud, jnp.ones((B, 1, N), dtype=point_cloud.dtype)], axis=1)
    pt = jnp.einsum('bkij,bjn->bkin', ext_trans, hom)
    p2 = jnp.einsum('ij,bkjn->bkin', K, pt)
    pixel_coords = p2[:, :, :2, :] / p2[:, :, 2:3, :]
    # get_2d_masks
    x = jnp.clip(jnp.round(pixel_coords[:, :, 0]).astype(jnp.int32), 0, W - 1)
    y = jnp.clip(jnp.round(pixel_coords[:, :, 1]).astype(jnp.int32), 0, H - 1)
    bi = jnp.arange(B)[:, None, None]
    vi = jnp.arange(V)[None, :, None]
    masks_at_coords = img_seg[bi, vi, y, x].astype(bool)
    return masks_at_coords

if __name__ == "__main__":
    import jax
    _d = setup_inputs()
    print(jax.jit(kernel)(*tuple(_d.values())))

</pallas_src>

<mosaic_0001>
#map = affine_map<(d0, d1) -> (0, 0, 0, 0)>
#map1 = affine_map<(d0, d1) -> (0, 0)>
module attributes {stable_mosaic.version = 14 : i64} {
  func.func @_sc_gather_body(%arg0: i32, %arg1: i32, %arg2: memref<8x4x25x800xi32, #tpu.memory_space<hbm>>, %arg3: memref<128x8192xi32, #tpu.memory_space<hbm>>, %arg4: memref<32x8192xf32, #tpu.memory_space<hbm>>, %arg5: memref<25x800xi32, #tpu.memory_space<vmem>>, %arg6: memref<8192xi32, #tpu.memory_space<vmem>>, %arg7: memref<8192xf32, #tpu.memory_space<vmem>>, %arg8: memref<!tpu.dma_semaphore, #tpu.memory_space<semaphore_mem>>) attributes {dimension_semantics = [#tpu.dimension_semantics<core_parallel>, #tpu.dimension_semantics<subcore_parallel>], iteration_bounds = array<i64: 2, 16>, scalar_prefetch = 0 : i64, scratch_operands = 4 : i64, tpu.core_type = #tpu.core_type<sc_vector_subcore>, window_params = [{transform_indices = #map}, {transform_indices = #map1}, {transform_indices = #map1}]} {
    %mul3A = arith.constant 2 : i32
    %mul3A_0 = arith.muli %arg1, %mul3A : i32
    %add3A = arith.addi %mul3A_0, %arg0 : i32
    %shift_right_arithmetic3A = arith.constant 2 : i32
    %shift_right_arithmetic3A_1 = arith.shrsi %add3A, %shift_right_arithmetic3A : i32
    %and3A = arith.constant 3 : i32
    %and3A_2 = arith.andi %add3A, %and3A : i32
    "tpu.region"() ({
      %run_scoped3A = tpu.sem_alloc : memref<!tpu.dma_semaphore, #tpu.memory_space<semaphore_mem>>
      %dma_start3A = arith.constant 0 : i32
      %dma_start3A_12 = arith.constant 0 : i32
      %dma_start3A_13 = tpu.memref_slice %arg2[%shift_right_arithmetic3A_1, %and3A_2, %dma_start3A, %dma_start3A_12] : memref<8x4x25x800xi32, #tpu.memory_space<hbm>> -> memref<1x1x25x800xi32, #tpu.memory_space<hbm>>
      %dma_start3A_14 = tpu.memref_squeeze %dma_start3A_13 : memref<1x1x25x800xi32, #tpu.memory_space<hbm>> -> memref<25x800xi32, #tpu.memory_space<hbm>>
      %dma_start3A_15 = arith.constant 0 : i32
      %dma_start3A_16 = arith.constant 0 : i32
      %dma_start3A_17 = tpu.memref_slice %arg2[%shift_right_arithmetic3A_1, %and3A_2, %dma_start3A_15, %dma_start3A_16] : memref<8x4x25x800xi32, #tpu.memory_space<hbm>> -> memref<1x1x25x800xi32, #tpu.memory_space<hbm>>
      %dma_start3A_18 = tpu.memref_squeeze %dma_start3A_17 : memref<1x1x25x800xi32, #tpu.memory_space<hbm>> -> memref<25x800xi32, #tpu.memory_space<hbm>>
      tpu.enqueue_dma source(%dma_start3A_18 : memref<25x800xi32, #tpu.memory_space<hbm>>) target(%arg5 : memref<25x800xi32, #tpu.memory_space<vmem>>) target_semaphore(%run_scoped3A : memref<!tpu.dma_semaphore, #tpu.memory_space<semaphore_mem>>)
      %dma_wait3A = arith.constant 0 : i32
      %dma_wait3A_19 = arith.constant 0 : i32
      %dma_wait3A_20 = tpu.memref_slice %arg2[%shift_right_arithmetic3A_1, %and3A_2, %dma_wait3A, %dma_wait3A_19] : memref<8x4x25x800xi32, #tpu.memory_space<hbm>> -> memref<1x1x25x800xi32, #tpu.memory_space<hbm>>
      %dma_wait3A_21 = tpu.memref_squeeze %dma_wait3A_20 : memref<1x1x25x800xi32, #tpu.memory_space<hbm>> -> memref<25x800xi32, #tpu.memory_space<hbm>>
      %dma_wait3A_22 = arith.constant 0 : i32
      %dma_wait3A_23 = arith.constant 0 : i32
      %dma_wait3A_24 = tpu.memref_slice %arg2[%shift_right_arithmetic3A_1, %and3A_2, %dma_wait3A_22, %dma_wait3A_23] : memref<8x4x25x800xi32, #tpu.memory_space<hbm>> -> memref<1x1x25x800xi32, #tpu.memory_space<hbm>>
      %dma_wait3A_25 = tpu.memref_squeeze %dma_wait3A_24 : memref<1x1x25x800xi32, #tpu.memory_space<hbm>> -> memref<25x800xi32, #tpu.memory_space<hbm>>
      tpu.wait_dma2 semaphore(%run_scoped3A : memref<!tpu.dma_semaphore, #tpu.memory_space<semaphore_mem>>) src(%dma_wait3A_25 : memref<25x800xi32, #tpu.memory_space<hbm>>) dst(%arg5 : memref<25x800xi32, #tpu.memory_space<vmem>>)
      tpu.yield
    }) : () -> ()
    %add3A_3 = arith.constant 0 : i32
    %add3A_4 = arith.addi %add3A_3, %add3A : i32
    "tpu.region"() ({
      %run_scoped3A = tpu.sem_alloc : memref<!tpu.dma_semaphore, #tpu.memory_space<semaphore_mem>>
      %dma_start3A = arith.constant 0 : i32
      %dma_start3A_12 = tpu.memref_slice %arg3[%add3A_4, %dma_start3A] : memref<128x8192xi32, #tpu.memory_space<hbm>> -> memref<1x8192xi32, #tpu.memory_space<hbm>>
      %dma_start3A_13 = tpu.memref_squeeze %dma_start3A_12 : memref<1x8192xi32, #tpu.memory_space<hbm>> -> memref<8192xi32, #tpu.memory_space<hbm>>
      %dma_start3A_14 = arith.constant 0 : i32
      %dma_start3A_15 = tpu.memref_slice %arg3[%add3A_4, %dma_start3A_14] : memref<128x8192xi32, #tpu.memory_space<hbm>> -> memref<1x8192xi32, #tpu.memory_space<hbm>>
      %dma_start3A_16 = tpu.memref_squeeze %dma_start3A_15 : memref<1x8192xi32, #tpu.memory_space<hbm>> -> memref<8192xi32, #tpu.memory_space<hbm>>
      tpu.enqueue_dma source(%dma_start3A_16 : memref<8192xi32, #tpu.memory_space<hbm>>) target(%arg6 : memref<8192xi32, #tpu.memory_space<vmem>>) target_semaphore(%run_scoped3A : memref<!tpu.dma_semaphore, #tpu.memory_space<semaphore_mem>>)
      %dma_wait3A = arith.constant 0 : i32
      %dma_wait3A_17 = tpu.memref_slice %arg3[%add3A_4, %dma_wait3A] : memref<128x8192xi32, #tpu.memory_space<hbm>> -> memref<1x8192xi32, #tpu.memory_space<hbm>>
      %dma_wait3A_18 = tpu.memref_squeeze %dma_wait3A_17 : memref<1x8192xi32, #tpu.memory_space<hbm>> -> memref<8192xi32, #tpu.memory_space<hbm>>
      %dma_wait3A_19 = arith.constant 0 : i32
      %dma_wait3A_20 = tpu.memref_slice %arg3[%add3A_4, %dma_wait3A_19] : memref<128x8192xi32, #tpu.memory_space<hbm>> -> memref<1x8192xi32, #tpu.memory_space<hbm>>
      %dma_wait3A_21 = tpu.memref_squeeze %dma_wait3A_20 : memref<1x8192xi32, #tpu.memory_space<hbm>> -> memref<8192xi32, #tpu.memory_space<hbm>>
      tpu.wait_dma2 semaphore(%run_scoped3A : memref<!tpu.dma_semaphore, #tpu.memory_space<semaphore_mem>>) src(%dma_wait3A_21 : memref<8192xi32, #tpu.memory_space<hbm>>) dst(%arg6 : memref<8192xi32, #tpu.memory_space<vmem>>)
      tpu.yield
    }) : () -> ()
    %mul3A_5 = arith.constant 25 : i32
    %mul3A_6 = arith.muli %and3A_2, %mul3A_5 : i32
    %scan3A = arith.constant 0 : i32
    %scan3A_7 = arith.constant 0 : i32
    %scan3A_8 = arith.constant 512 : i32
    %scan3A_9 = arith.addi %scan3A_7, %scan3A_8 : i32
    %scan3A_10 = arith.constant 1 : i32
    scf.for %scan3A_12 = %scan3A_7 to %scan3A_9 step %scan3A_10  : i32 {
      %mul3A_13 = arith.constant 16 : i32
      %mul3A_14 = arith.muli %scan3A_12, %mul3A_13 : i32
      %get3A = arith.index_cast %mul3A_14 : i32 to index
      %get3A_15 = tpu.vector_load %arg6[%get3A] {strides = array<i32>} : memref<8192xi32, #tpu.memory_space<vmem>>, vector<16xi32>,
      %shift_right_arithmetic3A_16 = arith.constant 15 : i32
      %shift_right_arithmetic3A_17 = vector.broadcast %shift_right_arithmetic3A_16 : i32 to vector<16xi32>
      %shift_right_arithmetic3A_18 = arith.shrsi %get3A_15, %shift_right_arithmetic3A_17 : vector<16xi32>
      %sub3A = vector.broadcast %mul3A_6 : i32 to vector<16xi32>
      %sub3A_19 = arith.subi %shift_right_arithmetic3A_18, %sub3A : vector<16xi32>
      %shift_right_arithmetic3A_20 = arith.constant 5 : i32
      %shift_right_arithmetic3A_21 = vector.broadcast %shift_right_arithmetic3A_20 : i32 to vector<16xi32>
      %shift_right_arithmetic3A_22 = arith.shrsi %get3A_15, %shift_right_arithmetic3A_21 : vector<16xi32>
      %and3A_23 = arith.constant 1023 : i32
      %and3A_24 = vector.broadcast %and3A_23 : i32 to vector<16xi32>
      %and3A_25 = arith.andi %shift_right_arithmetic3A_22, %and3A_24 : vector<16xi32>
      %gather3A = tpu.vector_load_idx %arg5[%sub3A_19, %and3A_25] : memref<25x800xi32, #tpu.memory_space<vmem>>[vector<16xi32>, vector<16xi32>], vector<16xi32>,
      %and3A_26 = arith.constant 31 : i32
      %and3A_27 = vector.broadcast %and3A_26 : i32 to vector<16xi32>
      %and3A_28 = arith.andi %get3A_15, %and3A_27 : vector<16xi32>
      %shift_right_arithmetic3A_29 = arith.shrsi %gather3A, %and3A_28 : vector<16xi32>
      %and3A_30 = arith.constant 1 : i32
      %and3A_31 = vector.broadcast %and3A_30 : i32 to vector<16xi32>
      %and3A_32 = arith.andi %shift_right_arithmetic3A_29, %and3A_31 : vector<16xi32>
      %convert_element_type3A = arith.sitofp %and3A_32 : vector<16xi32> to vector<16xf32>
      %swap3A = arith.index_cast %mul3A_14 : i32 to index
      %swap3A_33 = tpu.vector_load %arg7[%swap3A] {strides = array<i32>} : memref<8192xf32, #tpu.memory_space<vmem>>, vector<16xf32>,
      tpu.vector_store %arg7[%swap3A], %convert_element_type3A {strides = array<i32>} : memref<8192xf32, #tpu.memory_space<vmem>>, vector<16xf32>,
    }
    %scan3A_11 = arith.constant 512 : i32
    "tpu.region"() ({
      %run_scoped3A = tpu.sem_alloc : memref<!tpu.dma_semaphore, #tpu.memory_space<semaphore_mem>>
      %dma_start3A = arith.constant 0 : i32
      %dma_start3A_12 = tpu.memref_slice %arg4[%add3A, %dma_start3A] : memref<32x8192xf32, #tpu.memory_space<hbm>> -> memref<1x8192xf32, #tpu.memory_space<hbm>>
      %dma_start3A_13 = tpu.memref_squeeze %dma_start3A_12 : memref<1x8192xf32, #tpu.memory_space<hbm>> -> memref<8192xf32, #tpu.memory_space<hbm>>
      %dma_start3A_14 = arith.constant 0 : i32
      %dma_start3A_15 = tpu.memref_slice %arg4[%add3A, %dma_start3A_14] : memref<32x8192xf32, #tpu.memory_space<hbm>> -> memref<1x8192xf32, #tpu.memory_space<hbm>>
      %dma_start3A_16 = tpu.memref_squeeze %dma_start3A_15 : memref<1x8192xf32, #tpu.memory_space<hbm>> -> memref<8192xf32, #tpu.memory_space<hbm>>
      tpu.enqueue_dma source(%arg7 : memref<8192xf32, #tpu.memory_space<vmem>>) target(%dma_start3A_16 : memref<8192xf32, #tpu.memory_space<hbm>>) target_semaphore(%run_scoped3A : memref<!tpu.dma_semaphore, #tpu.memory_space<semaphore_mem>>)
      %dma_wait3A = arith.constant 0 : i32
      %dma_wait3A_17 = tpu.memref_slice %arg4[%add3A, %dma_wait3A] : memref<32x8192xf32, #tpu.memory_space<hbm>> -> memref<1x8192xf32, #tpu.memory_space<hbm>>
      %dma_wait3A_18 = tpu.memref_squeeze %dma_wait3A_17 : memref<1x8192xf32, #tpu.memory_space<hbm>> -> memref<8192xf32, #tpu.memory_space<hbm>>
      %dma_wait3A_19 = arith.constant 0 : i32
      %dma_wait3A_20 = tpu.memref_slice %arg4[%add3A, %dma_wait3A_19] : memref<32x8192xf32, #tpu.memory_space<hbm>> -> memref<1x8192xf32, #tpu.memory_space<hbm>>
      %dma_wait3A_21 = tpu.memref_squeeze %dma_wait3A_20 : memref<1x8192xf32, #tpu.memory_space<hbm>> -> memref<8192xf32, #tpu.memory_space<hbm>>
      tpu.wait_dma2 semaphore(%run_scoped3A : memref<!tpu.dma_semaphore, #tpu.memory_space<semaphore_mem>>) src(%arg7 : memref<8192xf32, #tpu.memory_space<vmem>>) dst(%dma_wait3A_21 : memref<8192xf32, #tpu.memory_space<hbm>>)
      tpu.yield
    }) : () -> ()
    return
  }
}

#map = affine_map<(d0, d1) -> (0, 0, 0, 0)>
#map1 = affine_map<(d0, d1) -> (0, 0)>
module attributes {stable_mosaic.version = 14 : i64} {
  func.func @_sc_gather_body(%arg0: i32, %arg1: i32, %arg2: memref<8x4x25x800xi32, #tpu.memory_space<hbm>>, %arg3: memref<128x8192xi32, #tpu.memory_space<hbm>>, %arg4: memref<32x8192xf32, #tpu.memory_space<hbm>>, %arg5: memref<25x800xi32, #tpu.memory_space<vmem>>, %arg6: memref<8192xi32, #tpu.memory_space<vmem>>, %arg7: memref<8192xf32, #tpu.memory_space<vmem>>, %arg8: memref<!tpu.dma_semaphore, #tpu.memory_space<semaphore_mem>>) attributes {dimension_semantics = [#tpu.dimension_semantics<core_parallel>, #tpu.dimension_semantics<subcore_parallel>], iteration_bounds = array<i64: 2, 16>, scalar_prefetch = 0 : i64, scratch_operands = 4 : i64, tpu.core_type = #tpu.core_type<sc_vector_subcore>, window_params = [{transform_indices = #map}, {transform_indices = #map1}, {transform_indices = #map1}]} {
    %mul3A = arith.constant 2 : i32
    %mul3A_0 = arith.muli %arg1, %mul3A : i32
    %add3A = arith.addi %mul3A_0, %arg0 : i32
    %shift_right_arithmetic3A = arith.constant 2 : i32
    %shift_right_arithmetic3A_1 = arith.shrsi %add3A, %shift_right_arithmetic3A : i32
    %and3A = arith.constant 3 : i32
    %and3A_2 = arith.andi %add3A, %and3A : i32
    "tpu.region"() ({
      %run_scoped3A = tpu.sem_alloc : memref<!tpu.dma_semaphore, #tpu.memory_space<semaphore_mem>>
      %dma_start3A = arith.constant 0 : i32
      %dma_start3A_12 = arith.constant 0 : i32
      %dma_start3A_13 = tpu.memref_slice %arg2[%shift_right_arithmetic3A_1, %and3A_2, %dma_start3A, %dma_start3A_12] : memref<8x4x25x800xi32, #tpu.memory_space<hbm>> -> memref<1x1x25x800xi32, #tpu.memory_space<hbm>>
      %dma_start3A_14 = tpu.memref_squeeze %dma_start3A_13 : memref<1x1x25x800xi32, #tpu.memory_space<hbm>> -> memref<25x800xi32, #tpu.memory_space<hbm>>
      %dma_start3A_15 = arith.constant 0 : i32
      %dma_start3A_16 = arith.constant 0 : i32
      %dma_start3A_17 = tpu.memref_slice %arg2[%shift_right_arithmetic3A_1, %and3A_2, %dma_start3A_15, %dma_start3A_16] : memref<8x4x25x800xi32, #tpu.memory_space<hbm>> -> memref<1x1x25x800xi32, #tpu.memory_space<hbm>>
      %dma_start3A_18 = tpu.memref_squeeze %dma_start3A_17 : memref<1x1x25x800xi32, #tpu.memory_space<hbm>> -> memref<25x800xi32, #tpu.memory_space<hbm>>
      tpu.enqueue_dma source(%dma_start3A_18 : memref<25x800xi32, #tpu.memory_space<hbm>>) target(%arg5 : memref<25x800xi32, #tpu.memory_space<vmem>>) target_semaphore(%run_scoped3A : memref<!tpu.dma_semaphore, #tpu.memory_space<semaphore_mem>>)
      %dma_wait3A = arith.constant 0 : i32
      %dma_wait3A_19 = arith.constant 0 : i32
      %dma_wait3A_20 = tpu.memref_slice %arg2[%shift_right_arithmetic3A_1, %and3A_2, %dma_wait3A, %dma_wait3A_19] : memref<8x4x25x800xi32, #tpu.memory_space<hbm>> -> memref<1x1x25x800xi32, #tpu.memory_space<hbm>>
      %dma_wait3A_21 = tpu.memref_squeeze %dma_wait3A_20 : memref<1x1x25x800xi32, #tpu.memory_space<hbm>> -> memref<25x800xi32, #tpu.memory_space<hbm>>
      %dma_wait3A_22 = arith.constant 0 : i32
      %dma_wait3A_23 = arith.constant 0 : i32
      %dma_wait3A_24 = tpu.memref_slice %arg2[%shift_right_arithmetic3A_1, %and3A_2, %dma_wait3A_22, %dma_wait3A_23] : memref<8x4x25x800xi32, #tpu.memory_space<hbm>> -> memref<1x1x25x800xi32, #tpu.memory_space<hbm>>
      %dma_wait3A_25 = tpu.memref_squeeze %dma_wait3A_24 : memref<1x1x25x800xi32, #tpu.memory_space<hbm>> -> memref<25x800xi32, #tpu.memory_space<hbm>>
      tpu.wait_dma2 semaphore(%run_scoped3A : memref<!tpu.dma_semaphore, #tpu.memory_space<semaphore_mem>>) src(%dma_wait3A_25 : memref<25x800xi32, #tpu.memory_space<hbm>>) dst(%arg5 : memref<25x800xi32, #tpu.memory_space<vmem>>)
      tpu.yield
    }) : () -> ()
    %add3A_3 = arith.constant 32 : i32
    %add3A_4 = arith.addi %add3A_3, %add3A : i32
    "tpu.region"() ({
      %run_scoped3A = tpu.sem_alloc : memref<!tpu.dma_semaphore, #tpu.memory_space<semaphore_mem>>
      %dma_start3A = arith.constant 0 : i32
      %dma_start3A_12 = tpu.memref_slice %arg3[%add3A_4, %dma_start3A] : memref<128x8192xi32, #tpu.memory_space<hbm>> -> memref<1x8192xi32, #tpu.memory_space<hbm>>
      %dma_start3A_13 = tpu.memref_squeeze %dma_start3A_12 : memref<1x8192xi32, #tpu.memory_space<hbm>> -> memref<8192xi32, #tpu.memory_space<hbm>>
      %dma_start3A_14 = arith.constant 0 : i32
      %dma_start3A_15 = tpu.memref_slice %arg3[%add3A_4, %dma_start3A_14] : memref<128x8192xi32, #tpu.memory_space<hbm>> -> memref<1x8192xi32, #tpu.memory_space<hbm>>
      %dma_start3A_16 = tpu.memref_squeeze %dma_start3A_15 : memref<1x8192xi32, #tpu.memory_space<hbm>> -> memref<8192xi32, #tpu.memory_space<hbm>>
      tpu.enqueue_dma source(%dma_start3A_16 : memref<8192xi32, #tpu.memory_space<hbm>>) target(%arg6 : memref<8192xi32, #tpu.memory_space<vmem>>) target_semaphore(%run_scoped3A : memref<!tpu.dma_semaphore, #tpu.memory_space<semaphore_mem>>)
      %dma_wait3A = arith.constant 0 : i32
      %dma_wait3A_17 = tpu.memref_slice %arg3[%add3A_4, %dma_wait3A] : memref<128x8192xi32, #tpu.memory_space<hbm>> -> memref<1x8192xi32, #tpu.memory_space<hbm>>
      %dma_wait3A_18 = tpu.memref_squeeze %dma_wait3A_17 : memref<1x8192xi32, #tpu.memory_space<hbm>> -> memref<8192xi32, #tpu.memory_space<hbm>>
      %dma_wait3A_19 = arith.constant 0 : i32
      %dma_wait3A_20 = tpu.memref_slice %arg3[%add3A_4, %dma_wait3A_19] : memref<128x8192xi32, #tpu.memory_space<hbm>> -> memref<1x8192xi32, #tpu.memory_space<hbm>>
      %dma_wait3A_21 = tpu.memref_squeeze %dma_wait3A_20 : memref<1x8192xi32, #tpu.memory_space<hbm>> -> memref<8192xi32, #tpu.memory_space<hbm>>
      tpu.wait_dma2 semaphore(%run_scoped3A : memref<!tpu.dma_semaphore, #tpu.memory_space<semaphore_mem>>) src(%dma_wait3A_21 : memref<8192xi32, #tpu.memory_space<hbm>>) dst(%arg6 : memref<8192xi32, #tpu.memory_space<vmem>>)
      tpu.yield
    }) : () -> ()
    %mul3A_5 = arith.constant 25 : i32
    %mul3A_6 = arith.muli %and3A_2, %mul3A_5 : i32
    %scan3A = arith.constant 0 : i32
    %scan3A_7 = arith.constant 0 : i32
    %scan3A_8 = arith.constant 512 : i32
    %scan3A_9 = arith.addi %scan3A_7, %scan3A_8 : i32
    %scan3A_10 = arith.constant 1 : i32
    scf.for %scan3A_12 = %scan3A_7 to %scan3A_9 step %scan3A_10  : i32 {
      %mul3A_13 = arith.constant 16 : i32
      %mul3A_14 = arith.muli %scan3A_12, %mul3A_13 : i32
      %get3A = arith.index_cast %mul3A_14 : i32 to index
      %get3A_15 = tpu.vector_load %arg6[%get3A] {strides = array<i32>} : memref<8192xi32, #tpu.memory_space<vmem>>, vector<16xi32>,
      %shift_right_arithmetic3A_16 = arith.constant 15 : i32
      %shift_right_arithmetic3A_17 = vector.broadcast %shift_right_arithmetic3A_16 : i32 to vector<16xi32>
      %shift_right_arithmetic3A_18 = arith.shrsi %get3A_15, %shift_right_arithmetic3A_17 : vector<16xi32>
      %sub3A = vector.broadcast %mul3A_6 : i32 to vector<16xi32>
      %sub3A_19 = arith.subi %shift_right_arithmetic3A_18, %sub3A : vector<16xi32>
      %shift_right_arithmetic3A_20 = arith.constant 5 : i32
      %shift_right_arithmetic3A_21 = vector.broadcast %shift_right_arithmetic3A_20 : i32 to vector<16xi32>
      %shift_right_arithmetic3A_22 = arith.shrsi %get3A_15, %shift_right_arithmetic3A_21 : vector<16xi32>
      %and3A_23 = arith.constant 1023 : i32
      %and3A_24 = vector.broadcast %and3A_23 : i32 to vector<16xi32>
      %and3A_25 = arith.andi %shift_right_arithmetic3A_22, %and3A_24 : vector<16xi32>
      %gather3A = tpu.vector_load_idx %arg5[%sub3A_19, %and3A_25] : memref<25x800xi32, #tpu.memory_space<vmem>>[vector<16xi32>, vector<16xi32>], vector<16xi32>,
      %and3A_26 = arith.constant 31 : i32
      %and3A_27 = vector.broadcast %and3A_26 : i32 to vector<16xi32>
      %and3A_28 = arith.andi %get3A_15, %and3A_27 : vector<16xi32>
      %shift_right_arithmetic3A_29 = arith.shrsi %gather3A, %and3A_28 : vector<16xi32>
      %and3A_30 = arith.constant 1 : i32
      %and3A_31 = vector.broadcast %and3A_30 : i32 to vector<16xi32>
      %and3A_32 = arith.andi %shift_right_arithmetic3A_29, %and3A_31 : vector<16xi32>
      %convert_element_type3A = arith.sitofp %and3A_32 : vector<16xi32> to vector<16xf32>
      %swap3A = arith.index_cast %mul3A_14 : i32 to index
      %swap3A_33 = tpu.vector_load %arg7[%swap3A] {strides = array<i32>} : memref<8192xf32, #tpu.memory_space<vmem>>, vector<16xf32>,
      tpu.vector_store %arg7[%swap3A], %convert_element_type3A {strides = array<i32>} : memref<8192xf32, #tpu.memory_space<vmem>>, vector<16xf32>,
    }
    %scan3A_11 = arith.constant 512 : i32
    "tpu.region"() ({
      %run_scoped3A = tpu.sem_alloc : memref<!tpu.dma_semaphore, #tpu.memory_space<semaphore_mem>>
      %dma_start3A = arith.constant 0 : i32
      %dma_start3A_12 = tpu.memref_slice %arg4[%add3A, %dma_start3A] : memref<32x8192xf32, #tpu.memory_space<hbm>> -> memref<1x8192xf32, #tpu.memory_space<hbm>>
      %dma_start3A_13 = tpu.memref_squeeze %dma_start3A_12 : memref<1x8192xf32, #tpu.memory_space<hbm>> -> memref<8192xf32, #tpu.memory_space<hbm>>
      %dma_start3A_14 = arith.constant 0 : i32
      %dma_start3A_15 = tpu.memref_slice %arg4[%add3A, %dma_start3A_14] : memref<32x8192xf32, #tpu.memory_space<hbm>> -> memref<1x8192xf32, #tpu.memory_space<hbm>>
      %dma_start3A_16 = tpu.memref_squeeze %dma_start3A_15 : memref<1x8192xf32, #tpu.memory_space<hbm>> -> memref<8192xf32, #tpu.memory_space<hbm>>
      tpu.enqueue_dma source(%arg7 : memref<8192xf32, #tpu.memory_space<vmem>>) target(%dma_start3A_16 : memref<8192xf32, #tpu.memory_space<hbm>>) target_semaphore(%run_scoped3A : memref<!tpu.dma_semaphore, #tpu.memory_space<semaphore_mem>>)
      %dma_wait3A = arith.constant 0 : i32
      %dma_wait3A_17 = tpu.memref_slice %arg4[%add3A, %dma_wait3A] : memref<32x8192xf32, #tpu.memory_space<hbm>> -> memref<1x8192xf32, #tpu.memory_space<hbm>>
      %dma_wait3A_18 = tpu.memref_squeeze %dma_wait3A_17 : memref<1x8192xf32, #tpu.memory_space<hbm>> -> memref<8192xf32, #tpu.memory_space<hbm>>
      %dma_wait3A_19 = arith.constant 0 : i32
      %dma_wait3A_20 = tpu.memref_slice %arg4[%add3A, %dma_wait3A_19] : memref<32x8192xf32, #tpu.memory_space<hbm>> -> memref<1x8192xf32, #tpu.memory_space<hbm>>
      %dma_wait3A_21 = tpu.memref_squeeze %dma_wait3A_20 : memref<1x8192xf32, #tpu.memory_space<hbm>> -> memref<8192xf32, #tpu.memory_space<hbm>>
      tpu.wait_dma2 semaphore(%run_scoped3A : memref<!tpu.dma_semaphore, #tpu.memory_space<semaphore_mem>>) src(%arg7 : memref<8192xf32, #tpu.memory_space<vmem>>) dst(%dma_wait3A_21 : memref<8192xf32, #tpu.memory_space<hbm>>)
      tpu.yield
    }) : () -> ()
    return
  }
}

#map = affine_map<(d0, d1) -> (0, 0, 0, 0)>
#map1 = affine_map<(d0, d1) -> (0, 0)>
module attributes {stable_mosaic.version = 14 : i64} {
  func.func @_sc_gather_body(%arg0: i32, %arg1: i32, %arg2: memref<8x4x25x800xi32, #tpu.memory_space<hbm>>, %arg3: memref<128x8192xi32, #tpu.memory_space<hbm>>, %arg4: memref<32x8192xf32, #tpu.memory_space<hbm>>, %arg5: memref<25x800xi32, #tpu.memory_space<vmem>>, %arg6: memref<8192xi32, #tpu.memory_space<vmem>>, %arg7: memref<8192xf32, #tpu.memory_space<vmem>>, %arg8: memref<!tpu.dma_semaphore, #tpu.memory_space<semaphore_mem>>) attributes {dimension_semantics = [#tpu.dimension_semantics<core_parallel>, #tpu.dimension_semantics<subcore_parallel>], iteration_bounds = array<i64: 2, 16>, scalar_prefetch = 0 : i64, scratch_operands = 4 : i64, tpu.core_type = #tpu.core_type<sc_vector_subcore>, window_params = [{transform_indices = #map}, {transform_indices = #map1}, {transform_indices = #map1}]} {
    %mul3A = arith.constant 2 : i32
    %mul3A_0 = arith.muli %arg1, %mul3A : i32
    %add3A = arith.addi %mul3A_0, %arg0 : i32
    %shift_right_arithmetic3A = arith.constant 2 : i32
    %shift_right_arithmetic3A_1 = arith.shrsi %add3A, %shift_right_arithmetic3A : i32
    %and3A = arith.constant 3 : i32
    %and3A_2 = arith.andi %add3A, %and3A : i32
    "tpu.region"() ({
      %run_scoped3A = tpu.sem_alloc : memref<!tpu.dma_semaphore, #tpu.memory_space<semaphore_mem>>
      %dma_start3A = arith.constant 0 : i32
      %dma_start3A_12 = arith.constant 0 : i32
      %dma_start3A_13 = tpu.memref_slice %arg2[%shift_right_arithmetic3A_1, %and3A_2, %dma_start3A, %dma_start3A_12] : memref<8x4x25x800xi32, #tpu.memory_space<hbm>> -> memref<1x1x25x800xi32, #tpu.memory_space<hbm>>
      %dma_start3A_14 = tpu.memref_squeeze %dma_start3A_13 : memref<1x1x25x800xi32, #tpu.memory_space<hbm>> -> memref<25x800xi32, #tpu.memory_space<hbm>>
      %dma_start3A_15 = arith.constant 0 : i32
      %dma_start3A_16 = arith.constant 0 : i32
      %dma_start3A_17 = tpu.memref_slice %arg2[%shift_right_arithmetic3A_1, %and3A_2, %dma_start3A_15, %dma_start3A_16] : memref<8x4x25x800xi32, #tpu.memory_space<hbm>> -> memref<1x1x25x800xi32, #tpu.memory_space<hbm>>
      %dma_start3A_18 = tpu.memref_squeeze %dma_start3A_17 : memref<1x1x25x800xi32, #tpu.memory_space<hbm>> -> memref<25x800xi32, #tpu.memory_space<hbm>>
      tpu.enqueue_dma source(%dma_start3A_18 : memref<25x800xi32, #tpu.memory_space<hbm>>) target(%arg5 : memref<25x800xi32, #tpu.memory_space<vmem>>) target_semaphore(%run_scoped3A : memref<!tpu.dma_semaphore, #tpu.memory_space<semaphore_mem>>)
      %dma_wait3A = arith.constant 0 : i32
      %dma_wait3A_19 = arith.constant 0 : i32
      %dma_wait3A_20 = tpu.memref_slice %arg2[%shift_right_arithmetic3A_1, %and3A_2, %dma_wait3A, %dma_wait3A_19] : memref<8x4x25x800xi32, #tpu.memory_space<hbm>> -> memref<1x1x25x800xi32, #tpu.memory_space<hbm>>
      %dma_wait3A_21 = tpu.memref_squeeze %dma_wait3A_20 : memref<1x1x25x800xi32, #tpu.memory_space<hbm>> -> memref<25x800xi32, #tpu.memory_space<hbm>>
      %dma_wait3A_22 = arith.constant 0 : i32
      %dma_wait3A_23 = arith.constant 0 : i32
      %dma_wait3A_24 = tpu.memref_slice %arg2[%shift_right_arithmetic3A_1, %and3A_2, %dma_wait3A_22, %dma_wait3A_23] : memref<8x4x25x800xi32, #tpu.memory_space<hbm>> -> memref<1x1x25x800xi32, #tpu.memory_space<hbm>>
      %dma_wait3A_25 = tpu.memref_squeeze %dma_wait3A_24 : memref<1x1x25x800xi32, #tpu.memory_space<hbm>> -> memref<25x800xi32, #tpu.memory_space<hbm>>
      tpu.wait_dma2 semaphore(%run_scoped3A : memref<!tpu.dma_semaphore, #tpu.memory_space<semaphore_mem>>) src(%dma_wait3A_25 : memref<25x800xi32, #tpu.memory_space<hbm>>) dst(%arg5 : memref<25x800xi32, #tpu.memory_space<vmem>>)
      tpu.yield
    }) : () -> ()
    %add3A_3 = arith.constant 96 : i32
    %add3A_4 = arith.addi %add3A_3, %add3A : i32
    "tpu.region"() ({
      %run_scoped3A = tpu.sem_alloc : memref<!tpu.dma_semaphore, #tpu.memory_space<semaphore_mem>>
      %dma_start3A = arith.constant 0 : i32
      %dma_start3A_12 = tpu.memref_slice %arg3[%add3A_4, %dma_start3A] : memref<128x8192xi32, #tpu.memory_space<hbm>> -> memref<1x8192xi32, #tpu.memory_space<hbm>>
      %dma_start3A_13 = tpu.memref_squeeze %dma_start3A_12 : memref<1x8192xi32, #tpu.memory_space<hbm>> -> memref<8192xi32, #tpu.memory_space<hbm>>
      %dma_start3A_14 = arith.constant 0 : i32
      %dma_start3A_15 = tpu.memref_slice %arg3[%add3A_4, %dma_start3A_14] : memref<128x8192xi32, #tpu.memory_space<hbm>> -> memref<1x8192xi32, #tpu.memory_space<hbm>>
      %dma_start3A_16 = tpu.memref_squeeze %dma_start3A_15 : memref<1x8192xi32, #tpu.memory_space<hbm>> -> memref<8192xi32, #tpu.memory_space<hbm>>
      tpu.enqueue_dma source(%dma_start3A_16 : memref<8192xi32, #tpu.memory_space<hbm>>) target(%arg6 : memref<8192xi32, #tpu.memory_space<vmem>>) target_semaphore(%run_scoped3A : memref<!tpu.dma_semaphore, #tpu.memory_space<semaphore_mem>>)
      %dma_wait3A = arith.constant 0 : i32
      %dma_wait3A_17 = tpu.memref_slice %arg3[%add3A_4, %dma_wait3A] : memref<128x8192xi32, #tpu.memory_space<hbm>> -> memref<1x8192xi32, #tpu.memory_space<hbm>>
      %dma_wait3A_18 = tpu.memref_squeeze %dma_wait3A_17 : memref<1x8192xi32, #tpu.memory_space<hbm>> -> memref<8192xi32, #tpu.memory_space<hbm>>
      %dma_wait3A_19 = arith.constant 0 : i32
      %dma_wait3A_20 = tpu.memref_slice %arg3[%add3A_4, %dma_wait3A_19] : memref<128x8192xi32, #tpu.memory_space<hbm>> -> memref<1x8192xi32, #tpu.memory_space<hbm>>
      %dma_wait3A_21 = tpu.memref_squeeze %dma_wait3A_20 : memref<1x8192xi32, #tpu.memory_space<hbm>> -> memref<8192xi32, #tpu.memory_space<hbm>>
      tpu.wait_dma2 semaphore(%run_scoped3A : memref<!tpu.dma_semaphore, #tpu.memory_space<semaphore_mem>>) src(%dma_wait3A_21 : memref<8192xi32, #tpu.memory_space<hbm>>) dst(%arg6 : memref<8192xi32, #tpu.memory_space<vmem>>)
      tpu.yield
    }) : () -> ()
    %mul3A_5 = arith.constant 25 : i32
    %mul3A_6 = arith.muli %and3A_2, %mul3A_5 : i32
    %scan3A = arith.constant 0 : i32
    %scan3A_7 = arith.constant 0 : i32
    %scan3A_8 = arith.constant 512 : i32
    %scan3A_9 = arith.addi %scan3A_7, %scan3A_8 : i32
    %scan3A_10 = arith.constant 1 : i32
    scf.for %scan3A_12 = %scan3A_7 to %scan3A_9 step %scan3A_10  : i32 {
      %mul3A_13 = arith.constant 16 : i32
      %mul3A_14 = arith.muli %scan3A_12, %mul3A_13 : i32
      %get3A = arith.index_cast %mul3A_14 : i32 to index
      %get3A_15 = tpu.vector_load %arg6[%get3A] {strides = array<i32>} : memref<8192xi32, #tpu.memory_space<vmem>>, vector<16xi32>,
      %shift_right_arithmetic3A_16 = arith.constant 15 : i32
      %shift_right_arithmetic3A_17 = vector.broadcast %shift_right_arithmetic3A_16 : i32 to vector<16xi32>
      %shift_right_arithmetic3A_18 = arith.shrsi %get3A_15, %shift_right_arithmetic3A_17 : vector<16xi32>
      %sub3A = vector.broadcast %mul3A_6 : i32 to vector<16xi32>
      %sub3A_19 = arith.subi %shift_right_arithmetic3A_18, %sub3A : vector<16xi32>
      %shift_right_arithmetic3A_20 = arith.constant 5 : i32
      %shift_right_arithmetic3A_21 = vector.broadcast %shift_right_arithmetic3A_20 : i32 to vector<16xi32>
      %shift_right_arithmetic3A_22 = arith.shrsi %get3A_15, %shift_right_arithmetic3A_21 : vector<16xi32>
      %and3A_23 = arith.constant 1023 : i32
      %and3A_24 = vector.broadcast %and3A_23 : i32 to vector<16xi32>
      %and3A_25 = arith.andi %shift_right_arithmetic3A_22, %and3A_24 : vector<16xi32>
      %gather3A = tpu.vector_load_idx %arg5[%sub3A_19, %and3A_25] : memref<25x800xi32, #tpu.memory_space<vmem>>[vector<16xi32>, vector<16xi32>], vector<16xi32>,
      %and3A_26 = arith.constant 31 : i32
      %and3A_27 = vector.broadcast %and3A_26 : i32 to vector<16xi32>
      %and3A_28 = arith.andi %get3A_15, %and3A_27 : vector<16xi32>
      %shift_right_arithmetic3A_29 = arith.shrsi %gather3A, %and3A_28 : vector<16xi32>
      %and3A_30 = arith.constant 1 : i32
      %and3A_31 = vector.broadcast %and3A_30 : i32 to vector<16xi32>
      %and3A_32 = arith.andi %shift_right_arithmetic3A_29, %and3A_31 : vector<16xi32>
      %convert_element_type3A = arith.sitofp %and3A_32 : vector<16xi32> to vector<16xf32>
      %swap3A = arith.index_cast %mul3A_14 : i32 to index
      %swap3A_33 = tpu.vector_load %arg7[%swap3A] {strides = array<i32>} : memref<8192xf32, #tpu.memory_space<vmem>>, vector<16xf32>,
      tpu.vector_store %arg7[%swap3A], %convert_element_type3A {strides = array<i32>} : memref<8192xf32, #tpu.memory_space<vmem>>, vector<16xf32>,
    }
    %scan3A_11 = arith.constant 512 : i32
    "tpu.region"() ({
      %run_scoped3A = tpu.sem_alloc : memref<!tpu.dma_semaphore, #tpu.memory_space<semaphore_mem>>
      %dma_start3A = arith.constant 0 : i32
      %dma_start3A_12 = tpu.memref_slice %arg4[%add3A, %dma_start3A] : memref<32x8192xf32, #tpu.memory_space<hbm>> -> memref<1x8192xf32, #tpu.memory_space<hbm>>
      %dma_start3A_13 = tpu.memref_squeeze %dma_start3A_12 : memref<1x8192xf32, #tpu.memory_space<hbm>> -> memref<8192xf32, #tpu.memory_space<hbm>>
      %dma_start3A_14 = arith.constant 0 : i32
      %dma_start3A_15 = tpu.memref_slice %arg4[%add3A, %dma_start3A_14] : memref<32x8192xf32, #tpu.memory_space<hbm>> -> memref<1x8192xf32, #tpu.memory_space<hbm>>
      %dma_start3A_16 = tpu.memref_squeeze %dma_start3A_15 : memref<1x8192xf32, #tpu.memory_space<hbm>> -> memref<8192xf32, #tpu.memory_space<hbm>>
      tpu.enqueue_dma source(%arg7 : memref<8192xf32, #tpu.memory_space<vmem>>) target(%dma_start3A_16 : memref<8192xf32, #tpu.memory_space<hbm>>) target_semaphore(%run_scoped3A : memref<!tpu.dma_semaphore, #tpu.memory_space<semaphore_mem>>)
      %dma_wait3A = arith.constant 0 : i32
      %dma_wait3A_17 = tpu.memref_slice %arg4[%add3A, %dma_wait3A] : memref<32x8192xf32, #tpu.memory_space<hbm>> -> memref<1x8192xf32, #tpu.memory_space<hbm>>
      %dma_wait3A_18 = tpu.memref_squeeze %dma_wait3A_17 : memref<1x8192xf32, #tpu.memory_space<hbm>> -> memref<8192xf32, #tpu.memory_space<hbm>>
      %dma_wait3A_19 = arith.constant 0 : i32
      %dma_wait3A_20 = tpu.memref_slice %arg4[%add3A, %dma_wait3A_19] : memref<32x8192xf32, #tpu.memory_space<hbm>> -> memref<1x8192xf32, #tpu.memory_space<hbm>>
      %dma_wait3A_21 = tpu.memref_squeeze %dma_wait3A_20 : memref<1x8192xf32, #tpu.memory_space<hbm>> -> memref<8192xf32, #tpu.memory_space<hbm>>
      tpu.wait_dma2 semaphore(%run_scoped3A : memref<!tpu.dma_semaphore, #tpu.memory_space<semaphore_mem>>) src(%arg7 : memref<8192xf32, #tpu.memory_space<vmem>>) dst(%dma_wait3A_21 : memref<8192xf32, #tpu.memory_space<hbm>>)
      tpu.yield
    }) : () -> ()
    return
  }
}

#map = affine_map<(d0, d1) -> (0, 0, 0, 0)>
#map1 = affine_map<(d0, d1) -> (0, 0)>
module attributes {stable_mosaic.version = 14 : i64} {
  func.func @_sc_gather_body(%arg0: i32, %arg1: i32, %arg2: memref<8x4x25x800xi32, #tpu.memory_space<hbm>>, %arg3: memref<128x8192xi32, #tpu.memory_space<hbm>>, %arg4: memref<32x8192xf32, #tpu.memory_space<hbm>>, %arg5: memref<25x800xi32, #tpu.memory_space<vmem>>, %arg6: memref<8192xi32, #tpu.memory_space<vmem>>, %arg7: memref<8192xf32, #tpu.memory_space<vmem>>, %arg8: memref<!tpu.dma_semaphore, #tpu.memory_space<semaphore_mem>>) attributes {dimension_semantics = [#tpu.dimension_semantics<core_parallel>, #tpu.dimension_semantics<subcore_parallel>], iteration_bounds = array<i64: 2, 16>, scalar_prefetch = 0 : i64, scratch_operands = 4 : i64, tpu.core_type = #tpu.core_type<sc_vector_subcore>, window_params = [{transform_indices = #map}, {transform_indices = #map1}, {transform_indices = #map1}]} {
    %mul3A = arith.constant 2 : i32
    %mul3A_0 = arith.muli %arg1, %mul3A : i32
    %add3A = arith.addi %mul3A_0, %arg0 : i32
    %shift_right_arithmetic3A = arith.constant 2 : i32
    %shift_right_arithmetic3A_1 = arith.shrsi %add3A, %shift_right_arithmetic3A : i32
    %and3A = arith.constant 3 : i32
    %and3A_2 = arith.andi %add3A, %and3A : i32
    "tpu.region"() ({
      %run_scoped3A = tpu.sem_alloc : memref<!tpu.dma_semaphore, #tpu.memory_space<semaphore_mem>>
      %dma_start3A = arith.constant 0 : i32
      %dma_start3A_12 = arith.constant 0 : i32
      %dma_start3A_13 = tpu.memref_slice %arg2[%shift_right_arithmetic3A_1, %and3A_2, %dma_start3A, %dma_start3A_12] : memref<8x4x25x800xi32, #tpu.memory_space<hbm>> -> memref<1x1x25x800xi32, #tpu.memory_space<hbm>>
      %dma_start3A_14 = tpu.memref_squeeze %dma_start3A_13 : memref<1x1x25x800xi32, #tpu.memory_space<hbm>> -> memref<25x800xi32, #tpu.memory_space<hbm>>
      %dma_start3A_15 = arith.constant 0 : i32
      %dma_start3A_16 = arith.constant 0 : i32
      %dma_start3A_17 = tpu.memref_slice %arg2[%shift_right_arithmetic3A_1, %and3A_2, %dma_start3A_15, %dma_start3A_16] : memref<8x4x25x800xi32, #tpu.memory_space<hbm>> -> memref<1x1x25x800xi32, #tpu.memory_space<hbm>>
      %dma_start3A_18 = tpu.memref_squeeze %dma_start3A_17 : memref<1x1x25x800xi32, #tpu.memory_space<hbm>> -> memref<25x800xi32, #tpu.memory_space<hbm>>
      tpu.enqueue_dma source(%dma_start3A_18 : memref<25x800xi32, #tpu.memory_space<hbm>>) target(%arg5 : memref<25x800xi32, #tpu.memory_space<vmem>>) target_semaphore(%run_scoped3A : memref<!tpu.dma_semaphore, #tpu.memory_space<semaphore_mem>>)
      %dma_wait3A = arith.constant 0 : i32
      %dma_wait3A_19 = arith.constant 0 : i32
      %dma_wait3A_20 = tpu.memref_slice %arg2[%shift_right_arithmetic3A_1, %and3A_2, %dma_wait3A, %dma_wait3A_19] : memref<8x4x25x800xi32, #tpu.memory_space<hbm>> -> memref<1x1x25x800xi32, #tpu.memory_space<hbm>>
      %dma_wait3A_21 = tpu.memref_squeeze %dma_wait3A_20 : memref<1x1x25x800xi32, #tpu.memory_space<hbm>> -> memref<25x800xi32, #tpu.memory_space<hbm>>
      %dma_wait3A_22 = arith.constant 0 : i32
      %dma_wait3A_23 = arith.constant 0 : i32
      %dma_wait3A_24 = tpu.memref_slice %arg2[%shift_right_arithmetic3A_1, %and3A_2, %dma_wait3A_22, %dma_wait3A_23] : memref<8x4x25x800xi32, #tpu.memory_space<hbm>> -> memref<1x1x25x800xi32, #tpu.memory_space<hbm>>
      %dma_wait3A_25 = tpu.memref_squeeze %dma_wait3A_24 : memref<1x1x25x800xi32, #tpu.memory_space<hbm>> -> memref<25x800xi32, #tpu.memory_space<hbm>>
      tpu.wait_dma2 semaphore(%run_scoped3A : memref<!tpu.dma_semaphore, #tpu.memory_space<semaphore_mem>>) src(%dma_wait3A_25 : memref<25x800xi32, #tpu.memory_space<hbm>>) dst(%arg5 : memref<25x800xi32, #tpu.memory_space<vmem>>)
      tpu.yield
    }) : () -> ()
    %add3A_3 = arith.constant 64 : i32
    %add3A_4 = arith.addi %add3A_3, %add3A : i32
    "tpu.region"() ({
      %run_scoped3A = tpu.sem_alloc : memref<!tpu.dma_semaphore, #tpu.memory_space<semaphore_mem>>
      %dma_start3A = arith.constant 0 : i32
      %dma_start3A_12 = tpu.memref_slice %arg3[%add3A_4, %dma_start3A] : memref<128x8192xi32, #tpu.memory_space<hbm>> -> memref<1x8192xi32, #tpu.memory_space<hbm>>
      %dma_start3A_13 = tpu.memref_squeeze %dma_start3A_12 : memref<1x8192xi32, #tpu.memory_space<hbm>> -> memref<8192xi32, #tpu.memory_space<hbm>>
      %dma_start3A_14 = arith.constant 0 : i32
      %dma_start3A_15 = tpu.memref_slice %arg3[%add3A_4, %dma_start3A_14] : memref<128x8192xi32, #tpu.memory_space<hbm>> -> memref<1x8192xi32, #tpu.memory_space<hbm>>
      %dma_start3A_16 = tpu.memref_squeeze %dma_start3A_15 : memref<1x8192xi32, #tpu.memory_space<hbm>> -> memref<8192xi32, #tpu.memory_space<hbm>>
      tpu.enqueue_dma source(%dma_start3A_16 : memref<8192xi32, #tpu.memory_space<hbm>>) target(%arg6 : memref<8192xi32, #tpu.memory_space<vmem>>) target_semaphore(%run_scoped3A : memref<!tpu.dma_semaphore, #tpu.memory_space<semaphore_mem>>)
      %dma_wait3A = arith.constant 0 : i32
      %dma_wait3A_17 = tpu.memref_slice %arg3[%add3A_4, %dma_wait3A] : memref<128x8192xi32, #tpu.memory_space<hbm>> -> memref<1x8192xi32, #tpu.memory_space<hbm>>
      %dma_wait3A_18 = tpu.memref_squeeze %dma_wait3A_17 : memref<1x8192xi32, #tpu.memory_space<hbm>> -> memref<8192xi32, #tpu.memory_space<hbm>>
      %dma_wait3A_19 = arith.constant 0 : i32
      %dma_wait3A_20 = tpu.memref_slice %arg3[%add3A_4, %dma_wait3A_19] : memref<128x8192xi32, #tpu.memory_space<hbm>> -> memref<1x8192xi32, #tpu.memory_space<hbm>>
      %dma_wait3A_21 = tpu.memref_squeeze %dma_wait3A_20 : memref<1x8192xi32, #tpu.memory_space<hbm>> -> memref<8192xi32, #tpu.memory_space<hbm>>
      tpu.wait_dma2 semaphore(%run_scoped3A : memref<!tpu.dma_semaphore, #tpu.memory_space<semaphore_mem>>) src(%dma_wait3A_21 : memref<8192xi32, #tpu.memory_space<hbm>>) dst(%arg6 : memref<8192xi32, #tpu.memory_space<vmem>>)
      tpu.yield
    }) : () -> ()
    %mul3A_5 = arith.constant 25 : i32
    %mul3A_6 = arith.muli %and3A_2, %mul3A_5 : i32
    %scan3A = arith.constant 0 : i32
    %scan3A_7 = arith.constant 0 : i32
    %scan3A_8 = arith.constant 512 : i32
    %scan3A_9 = arith.addi %scan3A_7, %scan3A_8 : i32
    %scan3A_10 = arith.constant 1 : i32
    scf.for %scan3A_12 = %scan3A_7 to %scan3A_9 step %scan3A_10  : i32 {
      %mul3A_13 = arith.constant 16 : i32
      %mul3A_14 = arith.muli %scan3A_12, %mul3A_13 : i32
      %get3A = arith.index_cast %mul3A_14 : i32 to index
      %get3A_15 = tpu.vector_load %arg6[%get3A] {strides = array<i32>} : memref<8192xi32, #tpu.memory_space<vmem>>, vector<16xi32>,
      %shift_right_arithmetic3A_16 = arith.constant 15 : i32
      %shift_right_arithmetic3A_17 = vector.broadcast %shift_right_arithmetic3A_16 : i32 to vector<16xi32>
      %shift_right_arithmetic3A_18 = arith.shrsi %get3A_15, %shift_right_arithmetic3A_17 : vector<16xi32>
      %sub3A = vector.broadcast %mul3A_6 : i32 to vector<16xi32>
      %sub3A_19 = arith.subi %shift_right_arithmetic3A_18, %sub3A : vector<16xi32>
      %shift_right_arithmetic3A_20 = arith.constant 5 : i32
      %shift_right_arithmetic3A_21 = vector.broadcast %shift_right_arithmetic3A_20 : i32 to vector<16xi32>
      %shift_right_arithmetic3A_22 = arith.shrsi %get3A_15, %shift_right_arithmetic3A_21 : vector<16xi32>
      %and3A_23 = arith.constant 1023 : i32
      %and3A_24 = vector.broadcast %and3A_23 : i32 to vector<16xi32>
      %and3A_25 = arith.andi %shift_right_arithmetic3A_22, %and3A_24 : vector<16xi32>
      %gather3A = tpu.vector_load_idx %arg5[%sub3A_19, %and3A_25] : memref<25x800xi32, #tpu.memory_space<vmem>>[vector<16xi32>, vector<16xi32>], vector<16xi32>,
      %and3A_26 = arith.constant 31 : i32
      %and3A_27 = vector.broadcast %and3A_26 : i32 to vector<16xi32>
      %and3A_28 = arith.andi %get3A_15, %and3A_27 : vector<16xi32>
      %shift_right_arithmetic3A_29 = arith.shrsi %gather3A, %and3A_28 : vector<16xi32>
      %and3A_30 = arith.constant 1 : i32
      %and3A_31 = vector.broadcast %and3A_30 : i32 to vector<16xi32>
      %and3A_32 = arith.andi %shift_right_arithmetic3A_29, %and3A_31 : vector<16xi32>
      %convert_element_type3A = arith.sitofp %and3A_32 : vector<16xi32> to vector<16xf32>
      %swap3A = arith.index_cast %mul3A_14 : i32 to index
      %swap3A_33 = tpu.vector_load %arg7[%swap3A] {strides = array<i32>} : memref<8192xf32, #tpu.memory_space<vmem>>, vector<16xf32>,
      tpu.vector_store %arg7[%swap3A], %convert_element_type3A {strides = array<i32>} : memref<8192xf32, #tpu.memory_space<vmem>>, vector<16xf32>,
    }
    %scan3A_11 = arith.constant 512 : i32
    "tpu.region"() ({
      %run_scoped3A = tpu.sem_alloc : memref<!tpu.dma_semaphore, #tpu.memory_space<semaphore_mem>>
      %dma_start3A = arith.constant 0 : i32
      %dma_start3A_12 = tpu.memref_slice %arg4[%add3A, %dma_start3A] : memref<32x8192xf32, #tpu.memory_space<hbm>> -> memref<1x8192xf32, #tpu.memory_space<hbm>>
      %dma_start3A_13 = tpu.memref_squeeze %dma_start3A_12 : memref<1x8192xf32, #tpu.memory_space<hbm>> -> memref<8192xf32, #tpu.memory_space<hbm>>
      %dma_start3A_14 = arith.constant 0 : i32
      %dma_start3A_15 = tpu.memref_slice %arg4[%add3A, %dma_start3A_14] : memref<32x8192xf32, #tpu.memory_space<hbm>> -> memref<1x8192xf32, #tpu.memory_space<hbm>>
      %dma_start3A_16 = tpu.memref_squeeze %dma_start3A_15 : memref<1x8192xf32, #tpu.memory_space<hbm>> -> memref<8192xf32, #tpu.memory_space<hbm>>
      tpu.enqueue_dma source(%arg7 : memref<8192xf32, #tpu.memory_space<vmem>>) target(%dma_start3A_16 : memref<8192xf32, #tpu.memory_space<hbm>>) target_semaphore(%run_scoped3A : memref<!tpu.dma_semaphore, #tpu.memory_space<semaphore_mem>>)
      %dma_wait3A = arith.constant 0 : i32
      %dma_wait3A_17 = tpu.memref_slice %arg4[%add3A, %dma_wait3A] : memref<32x8192xf32, #tpu.memory_space<hbm>> -> memref<1x8192xf32, #tpu.memory_space<hbm>>
      %dma_wait3A_18 = tpu.memref_squeeze %dma_wait3A_17 : memref<1x8192xf32, #tpu.memory_space<hbm>> -> memref<8192xf32, #tpu.memory_space<hbm>>
      %dma_wait3A_19 = arith.constant 0 : i32
      %dma_wait3A_20 = tpu.memref_slice %arg4[%add3A, %dma_wait3A_19] : memref<32x8192xf32, #tpu.memory_space<hbm>> -> memref<1x8192xf32, #tpu.memory_space<hbm>>
      %dma_wait3A_21 = tpu.memref_squeeze %dma_wait3A_20 : memref<1x8192xf32, #tpu.memory_space<hbm>> -> memref<8192xf32, #tpu.memory_space<hbm>>
      tpu.wait_dma2 semaphore(%run_scoped3A : memref<!tpu.dma_semaphore, #tpu.memory_space<semaphore_mem>>) src(%arg7 : memref<8192xf32, #tpu.memory_space<vmem>>) dst(%dma_wait3A_21 : memref<8192xf32, #tpu.memory_space<hbm>>)
      tpu.yield
    }) : () -> ()
    return
  }
}

module attributes {stable_mosaic.version = 14 : i64} {
  func.func @_pack_body(%arg0: i32, %arg1: memref<25x800xf32, #tpu.memory_space<vmem>>, %arg2: memref<25x800xf32, #tpu.memory_space<vmem>>, %arg3: memref<1x4x800x800xf32, #tpu.memory_space<vmem>>, %arg4: memref<1x4x25x800xi32, #tpu.memory_space<vmem>>) attributes {dimension_semantics = [#tpu.dimension_semantics<arbitrary>], iteration_bounds = array<i64: 8>, scalar_prefetch = 0 : i64, scratch_operands = 0 : i64, tpu.core_type = #tpu.core_type<tc>, window_params = [{pipeline_mode = #tpu.pipeline_mode<synchronous>, transform_indices = @transform_0, window_bounds = array<i64: 25, 800>}, {pipeline_mode = #tpu.pipeline_mode<synchronous>, transform_indices = @transform_1, window_bounds = array<i64: 25, 800>}, {transform_indices = @transform_2, window_bounds = array<i64: 1, 4, 800, 800>}, {transform_indices = @transform_3, window_bounds = array<i64: 1, 4, 25, 800>}]} {
    %get3A = arith.constant 0 : index
    %get3A_0 = arith.constant 0 : index
    %get3A_1 = arith.constant 0 : index
    %get3A_2 = arith.constant 0 : index
    %get3A_3 = vector.load %arg3[%get3A, %get3A_0, %get3A_1, %get3A_2] : memref<1x4x800x800xf32, #tpu.memory_space<vmem>>, vector<1x1x800x800xf32>
    %get3A_4 = vector.shape_cast %get3A_3 : vector<1x1x800x800xf32> to vector<800x800xf32>
    %get3A_5 = arith.constant 0 : index
    %get3A_6 = arith.constant 0 : index
    %get3A_7 = vector.load %arg1[%get3A_5, %get3A_6] : memref<25x800xf32, #tpu.memory_space<vmem>>, vector<25x800xf32>
    %dot_general3A = arith.constant dense<0.000000e+00> : vector<25x800xf32>
    %dot_general3A_8 = tpu.matmul %get3A_7, %get3A_4, %dot_general3A {dimension_numbers = #tpu.dot_dimension_numbers<[1], [0], [0], [1], [0, 0, 1, 1], [], []>, transpose_lhs_hint = false} : vector<25x800xf32>, vector<800x800xf32>, vector<25x800xf32> -> vector<25x800xf32>
    %get3A_9 = arith.constant 0 : index
    %get3A_10 = arith.constant 0 : index
    %get3A_11 = vector.load %arg2[%get3A_9, %get3A_10] : memref<25x800xf32, #tpu.memory_space<vmem>>, vector<25x800xf32>
    %dot_general3A_12 = arith.constant dense<0.000000e+00> : vector<25x800xf32>
    %dot_general3A_13 = tpu.matmul %get3A_11, %get3A_4, %dot_general3A_12 {dimension_numbers = #tpu.dot_dimension_numbers<[1], [0], [0], [1], [0, 0, 1, 1], [], []>, transpose_lhs_hint = false} : vector<25x800xf32>, vector<800x800xf32>, vector<25x800xf32> -> vector<25x800xf32>
    %convert_element_type3A = arith.fptosi %dot_general3A_8 : vector<25x800xf32> to vector<25x800xi32>
    %convert_element_type3A_14 = arith.fptosi %dot_general3A_13 : vector<25x800xf32> to vector<25x800xi32>
    %shift_left3A = arith.constant 16 : i32
    %shift_left3A_15 = vector.broadcast %shift_left3A : i32 to vector<25x800xi32>
    %shift_left3A_16 = arith.shli %convert_element_type3A_14, %shift_left3A_15 : vector<25x800xi32>
    %or3A = arith.ori %convert_element_type3A, %shift_left3A_16 : vector<25x800xi32>
    %swap3A = arith.constant 0 : index
    %swap3A_17 = arith.constant 0 : index
    %swap3A_18 = arith.constant 0 : index
    %swap3A_19 = arith.constant 0 : index
    %swap3A_20 = vector.load %arg4[%swap3A, %swap3A_17, %swap3A_18, %swap3A_19] : memref<1x4x25x800xi32, #tpu.memory_space<vmem>>, vector<1x1x25x800xi32>
    %swap3A_21 = vector.shape_cast %swap3A_20 : vector<1x1x25x800xi32> to vector<25x800xi32>
    %swap3A_22 = vector.shape_cast %or3A : vector<25x800xi32> to vector<1x1x25x800xi32>
    tpu.vector_store %arg4[%swap3A, %swap3A_17, %swap3A_18, %swap3A_19], %swap3A_22 {strides = array<i32>} : memref<1x4x25x800xi32, #tpu.memory_space<vmem>>, vector<1x1x25x800xi32>,
    %get3A_23 = arith.constant 0 : index
    %get3A_24 = arith.constant 1 : index
    %get3A_25 = arith.constant 0 : index
    %get3A_26 = arith.constant 0 : index
    %get3A_27 = vector.load %arg3[%get3A_23, %get3A_24, %get3A_25, %get3A_26] : memref<1x4x800x800xf32, #tpu.memory_space<vmem>>, vector<1x1x800x800xf32>
    %get3A_28 = vector.shape_cast %get3A_27 : vector<1x1x800x800xf32> to vector<800x800xf32>
    %get3A_29 = arith.constant 0 : index
    %get3A_30 = arith.constant 0 : index
    %get3A_31 = vector.load %arg1[%get3A_29, %get3A_30] : memref<25x800xf32, #tpu.memory_space<vmem>>, vector<25x800xf32>
    %dot_general3A_32 = arith.constant dense<0.000000e+00> : vector<25x800xf32>
    %dot_general3A_33 = tpu.matmul %get3A_31, %get3A_28, %dot_general3A_32 {dimension_numbers = #tpu.dot_dimension_numbers<[1], [0], [0], [1], [0, 0, 1, 1], [], []>, transpose_lhs_hint = false} : vector<25x800xf32>, vector<800x800xf32>, vector<25x800xf32> -> vector<25x800xf32>
    %get3A_34 = arith.constant 0 : index
    %get3A_35 = arith.constant 0 : index
    %get3A_36 = vector.load %arg2[%get3A_34, %get3A_35] : memref<25x800xf32, #tpu.memory_space<vmem>>, vector<25x800xf32>
    %dot_general3A_37 = arith.constant dense<0.000000e+00> : vector<25x800xf32>
    %dot_general3A_38 = tpu.matmul %get3A_36, %get3A_28, %dot_general3A_37 {dimension_numbers = #tpu.dot_dimension_numbers<[1], [0], [0], [1], [0, 0, 1, 1], [], []>, transpose_lhs_hint = false} : vector<25x800xf32>, vector<800x800xf32>, vector<25x800xf32> -> vector<25x800xf32>
    %convert_element_type3A_39 = arith.fptosi %dot_general3A_33 : vector<25x800xf32> to vector<25x800xi32>
    %convert_element_type3A_40 = arith.fptosi %dot_general3A_38 : vector<25x800xf32> to vector<25x800xi32>
    %shift_left3A_41 = arith.constant 16 : i32
    %shift_left3A_42 = vector.broadcast %shift_left3A_41 : i32 to vector<25x800xi32>
    %shift_left3A_43 = arith.shli %convert_element_type3A_40, %shift_left3A_42 : vector<25x800xi32>
    %or3A_44 = arith.ori %convert_element_type3A_39, %shift_left3A_43 : vector<25x800xi32>
    %swap3A_45 = arith.constant 0 : index
    %swap3A_46 = arith.constant 1 : index
    %swap3A_47 = arith.constant 0 : index
    %swap3A_48 = arith.constant 0 : index
    %swap3A_49 = vector.load %arg4[%swap3A_45, %swap3A_46, %swap3A_47, %swap3A_48] : memref<1x4x25x800xi32, #tpu.memory_space<vmem>>, vector<1x1x25x800xi32>
    %swap3A_50 = vector.shape_cast %swap3A_49 : vector<1x1x25x800xi32> to vector<25x800xi32>
    %swap3A_51 = vector.shape_cast %or3A_44 : vector<25x800xi32> to vector<1x1x25x800xi32>
    tpu.vector_store %arg4[%swap3A_45, %swap3A_46, %swap3A_47, %swap3A_48], %swap3A_51 {strides = array<i32>} : memref<1x4x25x800xi32, #tpu.memory_space<vmem>>, vector<1x1x25x800xi32>,
    %get3A_52 = arith.constant 0 : index
    %get3A_53 = arith.constant 2 : index
    %get3A_54 = arith.constant 0 : index
    %get3A_55 = arith.constant 0 : index
    %get3A_56 = vector.load %arg3[%get3A_52, %get3A_53, %get3A_54, %get3A_55] : memref<1x4x800x800xf32, #tpu.memory_space<vmem>>, vector<1x1x800x800xf32>
    %get3A_57 = vector.shape_cast %get3A_56 : vector<1x1x800x800xf32> to vector<800x800xf32>
    %get3A_58 = arith.constant 0 : index
    %get3A_59 = arith.constant 0 : index
    %get3A_60 = vector.load %arg1[%get3A_58, %get3A_59] : memref<25x800xf32, #tpu.memory_space<vmem>>, vector<25x800xf32>
    %dot_general3A_61 = arith.constant dense<0.000000e+00> : vector<25x800xf32>
    %dot_general3A_62 = tpu.matmul %get3A_60, %get3A_57, %dot_general3A_61 {dimension_numbers = #tpu.dot_dimension_numbers<[1], [0], [0], [1], [0, 0, 1, 1], [], []>, transpose_lhs_hint = false} : vector<25x800xf32>, vector<800x800xf32>, vector<25x800xf32> -> vector<25x800xf32>
    %get3A_63 = arith.constant 0 : index
    %get3A_64 = arith.constant 0 : index
    %get3A_65 = vector.load %arg2[%get3A_63, %get3A_64] : memref<25x800xf32, #tpu.memory_space<vmem>>, vector<25x800xf32>
    %dot_general3A_66 = arith.constant dense<0.000000e+00> : vector<25x800xf32>
    %dot_general3A_67 = tpu.matmul %get3A_65, %get3A_57, %dot_general3A_66 {dimension_numbers = #tpu.dot_dimension_numbers<[1], [0], [0], [1], [0, 0, 1, 1], [], []>, transpose_lhs_hint = false} : vector<25x800xf32>, vector<800x800xf32>, vector<25x800xf32> -> vector<25x800xf32>
    %convert_element_type3A_68 = arith.fptosi %dot_general3A_62 : vector<25x800xf32> to vector<25x800xi32>
    %convert_element_type3A_69 = arith.fptosi %dot_general3A_67 : vector<25x800xf32> to vector<25x800xi32>
    %shift_left3A_70 = arith.constant 16 : i32
    %shift_left3A_71 = vector.broadcast %shift_left3A_70 : i32 to vector<25x800xi32>
    %shift_left3A_72 = arith.shli %convert_element_type3A_69, %shift_left3A_71 : vector<25x800xi32>
    %or3A_73 = arith.ori %convert_element_type3A_68, %shift_left3A_72 : vector<25x800xi32>
    %swap3A_74 = arith.constant 0 : index
    %swap3A_75 = arith.constant 2 : index
    %swap3A_76 = arith.constant 0 : index
    %swap3A_77 = arith.constant 0 : index
    %swap3A_78 = vector.load %arg4[%swap3A_74, %swap3A_75, %swap3A_76, %swap3A_77] : memref<1x4x25x800xi32, #tpu.memory_space<vmem>>, vector<1x1x25x800xi32>
    %swap3A_79 = vector.shape_cast %swap3A_78 : vector<1x1x25x800xi32> to vector<25x800xi32>
    %swap3A_80 = vector.shape_cast %or3A_73 : vector<25x800xi32> to vector<1x1x25x800xi32>
    tpu.vector_store %arg4[%swap3A_74, %swap3A_75, %swap3A_76, %swap3A_77], %swap3A_80 {strides = array<i32>} : memref<1x4x25x800xi32, #tpu.memory_space<vmem>>, vector<1x1x25x800xi32>,
    %get3A_81 = arith.constant 0 : index
    %get3A_82 = arith.constant 3 : index
    %get3A_83 = arith.constant 0 : index
    %get3A_84 = arith.constant 0 : index
    %get3A_85 = vector.load %arg3[%get3A_81, %get3A_82, %get3A_83, %get3A_84] : memref<1x4x800x800xf32, #tpu.memory_space<vmem>>, vector<1x1x800x800xf32>
    %get3A_86 = vector.shape_cast %get3A_85 : vector<1x1x800x800xf32> to vector<800x800xf32>
    %get3A_87 = arith.constant 0 : index
    %get3A_88 = arith.constant 0 : index
    %get3A_89 = vector.load %arg1[%get3A_87, %get3A_88] : memref<25x800xf32, #tpu.memory_space<vmem>>, vector<25x800xf32>
    %dot_general3A_90 = arith.constant dense<0.000000e+00> : vector<25x800xf32>
    %dot_general3A_91 = tpu.matmul %get3A_89, %get3A_86, %dot_general3A_90 {dimension_numbers = #tpu.dot_dimension_numbers<[1], [0], [0], [1], [0, 0, 1, 1], [], []>, transpose_lhs_hint = false} : vector<25x800xf32>, vector<800x800xf32>, vector<25x800xf32> -> vector<25x800xf32>
    %get3A_92 = arith.constant 0 : index
    %get3A_93 = arith.constant 0 : index
    %get3A_94 = vector.load %arg2[%get3A_92, %get3A_93] : memref<25x800xf32, #tpu.memory_space<vmem>>, vector<25x800xf32>
    %dot_general3A_95 = arith.constant dense<0.000000e+00> : vector<25x800xf32>
    %dot_general3A_96 = tpu.matmul %get3A_94, %get3A_86, %dot_general3A_95 {dimension_numbers = #tpu.dot_dimension_numbers<[1], [0], [0], [1], [0, 0, 1, 1], [], []>, transpose_lhs_hint = false} : vector<25x800xf32>, vector<800x800xf32>, vector<25x800xf32> -> vector<25x800xf32>
    %convert_element_type3A_97 = arith.fptosi %dot_general3A_91 : vector<25x800xf32> to vector<25x800xi32>
    %convert_element_type3A_98 = arith.fptosi %dot_general3A_96 : vector<25x800xf32> to vector<25x800xi32>
    %shift_left3A_99 = arith.constant 16 : i32
    %shift_left3A_100 = vector.broadcast %shift_left3A_99 : i32 to vector<25x800xi32>
    %shift_left3A_101 = arith.shli %convert_element_type3A_98, %shift_left3A_100 : vector<25x800xi32>
    %or3A_102 = arith.ori %convert_element_type3A_97, %shift_left3A_101 : vector<25x800xi32>
    %swap3A_103 = arith.constant 0 : index
    %swap3A_104 = arith.constant 3 : index
    %swap3A_105 = arith.constant 0 : index
    %swap3A_106 = arith.constant 0 : index
    %swap3A_107 = vector.load %arg4[%swap3A_103, %swap3A_104, %swap3A_105, %swap3A_106] : memref<1x4x25x800xi32, #tpu.memory_space<vmem>>, vector<1x1x25x800xi32>
    %swap3A_108 = vector.shape_cast %swap3A_107 : vector<1x1x25x800xi32> to vector<25x800xi32>
    %swap3A_109 = vector.shape_cast %or3A_102 : vector<25x800xi32> to vector<1x1x25x800xi32>
    tpu.vector_store %arg4[%swap3A_103, %swap3A_104, %swap3A_105, %swap3A_106], %swap3A_109 {strides = array<i32>} : memref<1x4x25x800xi32, #tpu.memory_space<vmem>>, vector<1x1x25x800xi32>,
    return
  }
  func.func @transform_0(%arg0: i32) -> (i32, i32) {
    %c0_i32 = arith.constant 0 : i32
    %c0_i32_0 = arith.constant 0 : i32
    %c0_i32_1 = arith.constant 0 : i32
    return %c0_i32, %c0_i32_0 : i32, i32
  }
  func.func @transform_1(%arg0: i32) -> (i32, i32) {
    %c0_i32 = arith.constant 0 : i32
    %c0_i32_0 = arith.constant 0 : i32
    %c0_i32_1 = arith.constant 0 : i32
    return %c0_i32, %c0_i32_0 : i32, i32
  }
  func.func @transform_2(%arg0: i32) -> (i32, i32, i32, i32) {
    %add3A = arith.constant 0 : i32
    %add3A_0 = arith.addi %add3A, %arg0 : i32
    %c0_i32 = arith.constant 0 : i32
    %c0_i32_1 = arith.constant 0 : i32
    %c0_i32_2 = arith.constant 0 : i32
    %c0_i32_3 = arith.constant 0 : i32
    return %add3A_0, %c0_i32, %c0_i32_1, %c0_i32_2 : i32, i32, i32, i32
  }
  func.func @transform_3(%arg0: i32) -> (i32, i32, i32, i32) {
    %c0_i32 = arith.constant 0 : i32
    %c0_i32_0 = arith.constant 0 : i32
    %c0_i32_1 = arith.constant 0 : i32
    %c0_i32_2 = arith.constant 0 : i32
    return %arg0, %c0_i32, %c0_i32_0, %c0_i32_1 : i32, i32, i32, i32
  }
}

module attributes {stable_mosaic.version = 14 : i64} {
  func.func @_proj_body(%arg0: i32, %arg1: memref<1x96x32xf32, #tpu.memory_space<vmem>>, %arg2: memref<96x96xf32, #tpu.memory_space<vmem>>, %arg3: memref<8x3x8192xf32, #tpu.memory_space<vmem>>, %arg4: memref<32x8192xi32, #tpu.memory_space<vmem>>) attributes {dimension_semantics = [#tpu.dimension_semantics<arbitrary>], iteration_bounds = array<i64: 4>, scalar_prefetch = 0 : i64, scratch_operands = 0 : i64, tpu.core_type = #tpu.core_type<tc>, window_params = [{transform_indices = @transform_0, window_bounds = array<i64: 1, 96, 32>}, {pipeline_mode = #tpu.pipeline_mode<synchronous>, transform_indices = @transform_1, window_bounds = array<i64: 96, 96>}, {transform_indices = @transform_2, window_bounds = array<i64: 8, 3, 8192>}, {transform_indices = @transform_3, window_bounds = array<i64: 32, 8192>}]} {
    %broadcast_in_dim3A = arith.constant 1.000000e+00 : f32
    %broadcast_in_dim3A_0 = vector.broadcast %broadcast_in_dim3A : f32 to vector<1x8192xf32>
    %get3A = arith.constant 0 : index
    %get3A_1 = arith.constant 0 : index
    %get3A_2 = arith.constant 0 : index
    %get3A_3 = vector.load %arg3[%get3A, %get3A_1, %get3A_2] : memref<8x3x8192xf32, #tpu.memory_space<vmem>>, vector<1x3x8192xf32>
    %get3A_4 = vector.shape_cast %get3A_3 : vector<1x3x8192xf32> to vector<3x8192xf32>
    %get3A_5 = arith.constant 1 : index
    %get3A_6 = arith.constant 0 : index
    %get3A_7 = arith.constant 0 : index
    %get3A_8 = vector.load %arg3[%get3A_5, %get3A_6, %get3A_7] : memref<8x3x8192xf32, #tpu.memory_space<vmem>>, vector<1x3x8192xf32>
    %get3A_9 = vector.shape_cast %get3A_8 : vector<1x3x8192xf32> to vector<3x8192xf32>
    %get3A_10 = arith.constant 2 : index
    %get3A_11 = arith.constant 0 : index
    %get3A_12 = arith.constant 0 : index
    %get3A_13 = vector.load %arg3[%get3A_10, %get3A_11, %get3A_12] : memref<8x3x8192xf32, #tpu.memory_space<vmem>>, vector<1x3x8192xf32>
    %get3A_14 = vector.shape_cast %get3A_13 : vector<1x3x8192xf32> to vector<3x8192xf32>
    %get3A_15 = arith.constant 3 : index
    %get3A_16 = arith.constant 0 : index
    %get3A_17 = arith.constant 0 : index
    %get3A_18 = vector.load %arg3[%get3A_15, %get3A_16, %get3A_17] : memref<8x3x8192xf32, #tpu.memory_space<vmem>>, vector<1x3x8192xf32>
    %get3A_19 = vector.shape_cast %get3A_18 : vector<1x3x8192xf32> to vector<3x8192xf32>
    %get3A_20 = arith.constant 4 : index
    %get3A_21 = arith.constant 0 : index
    %get3A_22 = arith.constant 0 : index
    %get3A_23 = vector.load %arg3[%get3A_20, %get3A_21, %get3A_22] : memref<8x3x8192xf32, #tpu.memory_space<vmem>>, vector<1x3x8192xf32>
    %get3A_24 = vector.shape_cast %get3A_23 : vector<1x3x8192xf32> to vector<3x8192xf32>
    %get3A_25 = arith.constant 5 : index
    %get3A_26 = arith.constant 0 : index
    %get3A_27 = arith.constant 0 : index
    %get3A_28 = vector.load %arg3[%get3A_25, %get3A_26, %get3A_27] : memref<8x3x8192xf32, #tpu.memory_space<vmem>>, vector<1x3x8192xf32>
    %get3A_29 = vector.shape_cast %get3A_28 : vector<1x3x8192xf32> to vector<3x8192xf32>
    %get3A_30 = arith.constant 6 : index
    %get3A_31 = arith.constant 0 : index
    %get3A_32 = arith.constant 0 : index
    %get3A_33 = vector.load %arg3[%get3A_30, %get3A_31, %get3A_32] : memref<8x3x8192xf32, #tpu.memory_space<vmem>>, vector<1x3x8192xf32>
    %get3A_34 = vector.shape_cast %get3A_33 : vector<1x3x8192xf32> to vector<3x8192xf32>
    %get3A_35 = arith.constant 7 : index
    %get3A_36 = arith.constant 0 : index
    %get3A_37 = arith.constant 0 : index
    %get3A_38 = vector.load %arg3[%get3A_35, %get3A_36, %get3A_37] : memref<8x3x8192xf32, #tpu.memory_space<vmem>>, vector<1x3x8192xf32>
    %get3A_39 = vector.shape_cast %get3A_38 : vector<1x3x8192xf32> to vector<3x8192xf32>
    %concatenate3A = tpu.concatenate %get3A_4, %broadcast_in_dim3A_0, %get3A_9, %broadcast_in_dim3A_0, %get3A_14, %broadcast_in_dim3A_0, %get3A_19, %broadcast_in_dim3A_0, %get3A_24, %broadcast_in_dim3A_0, %get3A_29, %broadcast_in_dim3A_0, %get3A_34, %broadcast_in_dim3A_0, %get3A_39, %broadcast_in_dim3A_0 in 0 : vector<3x8192xf32>, vector<1x8192xf32>, vector<3x8192xf32>, vector<1x8192xf32>, vector<3x8192xf32>, vector<1x8192xf32>, vector<3x8192xf32>, vector<1x8192xf32>, vector<3x8192xf32>, vector<1x8192xf32>, vector<3x8192xf32>, vector<1x8192xf32>, vector<3x8192xf32>, vector<1x8192xf32>, vector<3x8192xf32>, vector<1x8192xf32> -> vector<32x8192xf32>
    %get3A_40 = arith.constant 0 : index
    %get3A_41 = arith.constant 0 : index
    %get3A_42 = arith.constant 0 : index
    %get3A_43 = vector.load %arg1[%get3A_40, %get3A_41, %get3A_42] : memref<1x96x32xf32, #tpu.memory_space<vmem>>, vector<1x96x32xf32>
    %get3A_44 = vector.shape_cast %get3A_43 : vector<1x96x32xf32> to vector<96x32xf32>
    %dot_general3A = arith.constant dense<0.000000e+00> : vector<96x8192xf32>
    %dot_general3A_45 = tpu.matmul %get3A_44, %concatenate3A, %dot_general3A {dimension_numbers = #tpu.dot_dimension_numbers<[1], [0], [0], [1], [0, 0, 1, 1], [], []>, transpose_lhs_hint = false} : vector<96x32xf32>, vector<32x8192xf32>, vector<96x8192xf32> -> vector<96x8192xf32>
    %get3A_46 = arith.constant 0 : index
    %get3A_47 = arith.constant 0 : index
    %get3A_48 = vector.load %arg2[%get3A_46, %get3A_47] : memref<96x96xf32, #tpu.memory_space<vmem>>, vector<96x96xf32>
    %dot_general3A_49 = arith.constant dense<0.000000e+00> : vector<96x8192xf32>
    %dot_general3A_50 = tpu.matmul %get3A_48, %dot_general3A_45, %dot_general3A_49 {dimension_numbers = #tpu.dot_dimension_numbers<[1], [0], [0], [1], [0, 0, 1, 1], [], []>, transpose_lhs_hint = false} : vector<96x96xf32>, vector<96x8192xf32>, vector<96x8192xf32> -> vector<96x8192xf32>
    %slice3A = vector.extract_strided_slice %dot_general3A_50 {offsets = [0, 0], sizes = [32, 8192], strides = [1, 1]} : vector<96x8192xf32> to vector<32x8192xf32>
    %slice3A_51 = vector.extract_strided_slice %dot_general3A_50 {offsets = [32, 0], sizes = [32, 8192], strides = [1, 1]} : vector<96x8192xf32> to vector<32x8192xf32>
    %slice3A_52 = vector.extract_strided_slice %dot_general3A_50 {offsets = [64, 0], sizes = [32, 8192], strides = [1, 1]} : vector<96x8192xf32> to vector<32x8192xf32>
    %div3A = arith.divf %slice3A, %slice3A_52 : vector<32x8192xf32>
    %div3A_53 = arith.divf %slice3A_51, %slice3A_52 : vector<32x8192xf32>
    %round3A = math.roundeven %div3A : vector<32x8192xf32>
    %convert_element_type3A = arith.fptosi %round3A : vector<32x8192xf32> to vector<32x8192xi32>
    %jit3A = arith.constant 0 : i32
    %jit3A_54 = arith.constant 799 : i32
    %max3A = vector.broadcast %jit3A : i32 to vector<32x8192xi32>
    %max3A_55 = arith.maxsi %max3A, %convert_element_type3A : vector<32x8192xi32>
    %min3A = vector.broadcast %jit3A_54 : i32 to vector<32x8192xi32>
    %min3A_56 = arith.minsi %min3A, %max3A_55 : vector<32x8192xi32>
    %round3A_57 = math.roundeven %div3A_53 : vector<32x8192xf32>
    %convert_element_type3A_58 = arith.fptosi %round3A_57 : vector<32x8192xf32> to vector<32x8192xi32>
    %jit3A_59 = arith.constant 0 : i32
    %jit3A_60 = arith.constant 799 : i32
    %max3A_61 = vector.broadcast %jit3A_59 : i32 to vector<32x8192xi32>
    %max3A_62 = arith.maxsi %max3A_61, %convert_element_type3A_58 : vector<32x8192xi32>
    %min3A_63 = vector.broadcast %jit3A_60 : i32 to vector<32x8192xi32>
    %min3A_64 = arith.minsi %min3A_63, %max3A_62 : vector<32x8192xi32>
    %iota3A = tpu.iota {dimensions = array<i32: 0>} : vector<32x8192xi32>
    %and3A = arith.constant 3 : i32
    %and3A_65 = vector.broadcast %and3A : i32 to vector<32x8192xi32>
    %and3A_66 = arith.andi %iota3A, %and3A_65 : vector<32x8192xi32>
    %mul3A = arith.constant 25 : i32
    %mul3A_67 = vector.broadcast %mul3A : i32 to vector<32x8192xi32>
    %mul3A_68 = arith.muli %and3A_66, %mul3A_67 : vector<32x8192xi32>
    %shift_right_arithmetic3A = arith.constant 5 : i32
    %shift_right_arithmetic3A_69 = vector.broadcast %shift_right_arithmetic3A : i32 to vector<32x8192xi32>
    %shift_right_arithmetic3A_70 = arith.shrsi %min3A_64, %shift_right_arithmetic3A_69 : vector<32x8192xi32>
    %add3A = arith.addi %mul3A_68, %shift_right_arithmetic3A_70 : vector<32x8192xi32>
    %shift_left3A = arith.constant 15 : i32
    %shift_left3A_71 = vector.broadcast %shift_left3A : i32 to vector<32x8192xi32>
    %shift_left3A_72 = arith.shli %add3A, %shift_left3A_71 : vector<32x8192xi32>
    %shift_left3A_73 = arith.constant 5 : i32
    %shift_left3A_74 = vector.broadcast %shift_left3A_73 : i32 to vector<32x8192xi32>
    %shift_left3A_75 = arith.shli %min3A_56, %shift_left3A_74 : vector<32x8192xi32>
    %or3A = arith.ori %shift_left3A_72, %shift_left3A_75 : vector<32x8192xi32>
    %and3A_76 = arith.constant 31 : i32
    %and3A_77 = vector.broadcast %and3A_76 : i32 to vector<32x8192xi32>
    %and3A_78 = arith.andi %min3A_64, %and3A_77 : vector<32x8192xi32>
    %or3A_79 = arith.ori %or3A, %and3A_78 : vector<32x8192xi32>
    %swap3A = arith.constant 0 : index
    %swap3A_80 = arith.constant 0 : index
    %swap3A_81 = vector.load %arg4[%swap3A, %swap3A_80] : memref<32x8192xi32, #tpu.memory_space<vmem>>, vector<32x8192xi32>
    tpu.vector_store %arg4[%swap3A, %swap3A_80], %or3A_79 {strides = array<i32>} : memref<32x8192xi32, #tpu.memory_space<vmem>>, vector<32x8192xi32>,
    return
  }
  func.func @transform_0(%arg0: i32) -> (i32, i32, i32) {
    %c0_i32 = arith.constant 0 : i32
    %c0_i32_0 = arith.constant 0 : i32
    %c0_i32_1 = arith.constant 0 : i32
    return %arg0, %c0_i32, %c0_i32_0 : i32, i32, i32
  }
  func.func @transform_1(%arg0: i32) -> (i32, i32) {
    %c0_i32 = arith.constant 0 : i32
    %c0_i32_0 = arith.constant 0 : i32
    %c0_i32_1 = arith.constant 0 : i32
    return %c0_i32, %c0_i32_0 : i32, i32
  }
  func.func @transform_2(%arg0: i32) -> (i32, i32, i32) {
    %c0_i32 = arith.constant 0 : i32
    %c0_i32_0 = arith.constant 0 : i32
    %c0_i32_1 = arith.constant 0 : i32
    return %arg0, %c0_i32, %c0_i32_0 : i32, i32, i32
  }
  func.func @transform_3(%arg0: i32) -> (i32, i32) {
    %c0_i32 = arith.constant 0 : i32
    %c0_i32_0 = arith.constant 0 : i32
    return %arg0, %c0_i32 : i32, i32
  }
}

module attributes {stable_mosaic.version = 14 : i64} {
  func.func @_pack_body(%arg0: i32, %arg1: memref<25x800xf32, #tpu.memory_space<vmem>>, %arg2: memref<25x800xf32, #tpu.memory_space<vmem>>, %arg3: memref<1x4x800x800xf32, #tpu.memory_space<vmem>>, %arg4: memref<1x4x25x800xi32, #tpu.memory_space<vmem>>) attributes {dimension_semantics = [#tpu.dimension_semantics<arbitrary>], iteration_bounds = array<i64: 8>, scalar_prefetch = 0 : i64, scratch_operands = 0 : i64, tpu.core_type = #tpu.core_type<tc>, window_params = [{pipeline_mode = #tpu.pipeline_mode<synchronous>, transform_indices = @transform_0, window_bounds = array<i64: 25, 800>}, {pipeline_mode = #tpu.pipeline_mode<synchronous>, transform_indices = @transform_1, window_bounds = array<i64: 25, 800>}, {transform_indices = @transform_2, window_bounds = array<i64: 1, 4, 800, 800>}, {transform_indices = @transform_3, window_bounds = array<i64: 1, 4, 25, 800>}]} {
    %get3A = arith.constant 0 : index
    %get3A_0 = arith.constant 0 : index
    %get3A_1 = arith.constant 0 : index
    %get3A_2 = arith.constant 0 : index
    %get3A_3 = vector.load %arg3[%get3A, %get3A_0, %get3A_1, %get3A_2] : memref<1x4x800x800xf32, #tpu.memory_space<vmem>>, vector<1x1x800x800xf32>
    %get3A_4 = vector.shape_cast %get3A_3 : vector<1x1x800x800xf32> to vector<800x800xf32>
    %get3A_5 = arith.constant 0 : index
    %get3A_6 = arith.constant 0 : index
    %get3A_7 = vector.load %arg1[%get3A_5, %get3A_6] : memref<25x800xf32, #tpu.memory_space<vmem>>, vector<25x800xf32>
    %dot_general3A = arith.constant dense<0.000000e+00> : vector<25x800xf32>
    %dot_general3A_8 = tpu.matmul %get3A_7, %get3A_4, %dot_general3A {dimension_numbers = #tpu.dot_dimension_numbers<[1], [0], [0], [1], [0, 0, 1, 1], [], []>, transpose_lhs_hint = false} : vector<25x800xf32>, vector<800x800xf32>, vector<25x800xf32> -> vector<25x800xf32>
    %get3A_9 = arith.constant 0 : index
    %get3A_10 = arith.constant 0 : index
    %get3A_11 = vector.load %arg2[%get3A_9, %get3A_10] : memref<25x800xf32, #tpu.memory_space<vmem>>, vector<25x800xf32>
    %dot_general3A_12 = arith.constant dense<0.000000e+00> : vector<25x800xf32>
    %dot_general3A_13 = tpu.matmul %get3A_11, %get3A_4, %dot_general3A_12 {dimension_numbers = #tpu.dot_dimension_numbers<[1], [0], [0], [1], [0, 0, 1, 1], [], []>, transpose_lhs_hint = false} : vector<25x800xf32>, vector<800x800xf32>, vector<25x800xf32> -> vector<25x800xf32>
    %convert_element_type3A = arith.fptosi %dot_general3A_8 : vector<25x800xf32> to vector<25x800xi32>
    %convert_element_type3A_14 = arith.fptosi %dot_general3A_13 : vector<25x800xf32> to vector<25x800xi32>
    %shift_left3A = arith.constant 16 : i32
    %shift_left3A_15 = vector.broadcast %shift_left3A : i32 to vector<25x800xi32>
    %shift_left3A_16 = arith.shli %convert_element_type3A_14, %shift_left3A_15 : vector<25x800xi32>
    %or3A = arith.ori %convert_element_type3A, %shift_left3A_16 : vector<25x800xi32>
    %swap3A = arith.constant 0 : index
    %swap3A_17 = arith.constant 0 : index
    %swap3A_18 = arith.constant 0 : index
    %swap3A_19 = arith.constant 0 : index
    %swap3A_20 = vector.load %arg4[%swap3A, %swap3A_17, %swap3A_18, %swap3A_19] : memref<1x4x25x800xi32, #tpu.memory_space<vmem>>, vector<1x1x25x800xi32>
    %swap3A_21 = vector.shape_cast %swap3A_20 : vector<1x1x25x800xi32> to vector<25x800xi32>
    %swap3A_22 = vector.shape_cast %or3A : vector<25x800xi32> to vector<1x1x25x800xi32>
    tpu.vector_store %arg4[%swap3A, %swap3A_17, %swap3A_18, %swap3A_19], %swap3A_22 {strides = array<i32>} : memref<1x4x25x800xi32, #tpu.memory_space<vmem>>, vector<1x1x25x800xi32>,
    %get3A_23 = arith.constant 0 : index
    %get3A_24 = arith.constant 1 : index
    %get3A_25 = arith.constant 0 : index
    %get3A_26 = arith.constant 0 : index
    %get3A_27 = vector.load %arg3[%get3A_23, %get3A_24, %get3A_25, %get3A_26] : memref<1x4x800x800xf32, #tpu.memory_space<vmem>>, vector<1x1x800x800xf32>
    %get3A_28 = vector.shape_cast %get3A_27 : vector<1x1x800x800xf32> to vector<800x800xf32>
    %get3A_29 = arith.constant 0 : index
    %get3A_30 = arith.constant 0 : index
    %get3A_31 = vector.load %arg1[%get3A_29, %get3A_30] : memref<25x800xf32, #tpu.memory_space<vmem>>, vector<25x800xf32>
    %dot_general3A_32 = arith.constant dense<0.000000e+00> : vector<25x800xf32>
    %dot_general3A_33 = tpu.matmul %get3A_31, %get3A_28, %dot_general3A_32 {dimension_numbers = #tpu.dot_dimension_numbers<[1], [0], [0], [1], [0, 0, 1, 1], [], []>, transpose_lhs_hint = false} : vector<25x800xf32>, vector<800x800xf32>, vector<25x800xf32> -> vector<25x800xf32>
    %get3A_34 = arith.constant 0 : index
    %get3A_35 = arith.constant 0 : index
    %get3A_36 = vector.load %arg2[%get3A_34, %get3A_35] : memref<25x800xf32, #tpu.memory_space<vmem>>, vector<25x800xf32>
    %dot_general3A_37 = arith.constant dense<0.000000e+00> : vector<25x800xf32>
    %dot_general3A_38 = tpu.matmul %get3A_36, %get3A_28, %dot_general3A_37 {dimension_numbers = #tpu.dot_dimension_numbers<[1], [0], [0], [1], [0, 0, 1, 1], [], []>, transpose_lhs_hint = false} : vector<25x800xf32>, vector<800x800xf32>, vector<25x800xf32> -> vector<25x800xf32>
    %convert_element_type3A_39 = arith.fptosi %dot_general3A_33 : vector<25x800xf32> to vector<25x800xi32>
    %convert_element_type3A_40 = arith.fptosi %dot_general3A_38 : vector<25x800xf32> to vector<25x800xi32>
    %shift_left3A_41 = arith.constant 16 : i32
    %shift_left3A_42 = vector.broadcast %shift_left3A_41 : i32 to vector<25x800xi32>
    %shift_left3A_43 = arith.shli %convert_element_type3A_40, %shift_left3A_42 : vector<25x800xi32>
    %or3A_44 = arith.ori %convert_element_type3A_39, %shift_left3A_43 : vector<25x800xi32>
    %swap3A_45 = arith.constant 0 : index
    %swap3A_46 = arith.constant 1 : index
    %swap3A_47 = arith.constant 0 : index
    %swap3A_48 = arith.constant 0 : index
    %swap3A_49 = vector.load %arg4[%swap3A_45, %swap3A_46, %swap3A_47, %swap3A_48] : memref<1x4x25x800xi32, #tpu.memory_space<vmem>>, vector<1x1x25x800xi32>
    %swap3A_50 = vector.shape_cast %swap3A_49 : vector<1x1x25x800xi32> to vector<25x800xi32>
    %swap3A_51 = vector.shape_cast %or3A_44 : vector<25x800xi32> to vector<1x1x25x800xi32>
    tpu.vector_store %arg4[%swap3A_45, %swap3A_46, %swap3A_47, %swap3A_48], %swap3A_51 {strides = array<i32>} : memref<1x4x25x800xi32, #tpu.memory_space<vmem>>, vector<1x1x25x800xi32>,
    %get3A_52 = arith.constant 0 : index
    %get3A_53 = arith.constant 2 : index
    %get3A_54 = arith.constant 0 : index
    %get3A_55 = arith.constant 0 : index
    %get3A_56 = vector.load %arg3[%get3A_52, %get3A_53, %get3A_54, %get3A_55] : memref<1x4x800x800xf32, #tpu.memory_space<vmem>>, vector<1x1x800x800xf32>
    %get3A_57 = vector.shape_cast %get3A_56 : vector<1x1x800x800xf32> to vector<800x800xf32>
    %get3A_58 = arith.constant 0 : index
    %get3A_59 = arith.constant 0 : index
    %get3A_60 = vector.load %arg1[%get3A_58, %get3A_59] : memref<25x800xf32, #tpu.memory_space<vmem>>, vector<25x800xf32>
    %dot_general3A_61 = arith.constant dense<0.000000e+00> : vector<25x800xf32>
    %dot_general3A_62 = tpu.matmul %get3A_60, %get3A_57, %dot_general3A_61 {dimension_numbers = #tpu.dot_dimension_numbers<[1], [0], [0], [1], [0, 0, 1, 1], [], []>, transpose_lhs_hint = false} : vector<25x800xf32>, vector<800x800xf32>, vector<25x800xf32> -> vector<25x800xf32>
    %get3A_63 = arith.constant 0 : index
    %get3A_64 = arith.constant 0 : index
    %get3A_65 = vector.load %arg2[%get3A_63, %get3A_64] : memref<25x800xf32, #tpu.memory_space<vmem>>, vector<25x800xf32>
    %dot_general3A_66 = arith.constant dense<0.000000e+00> : vector<25x800xf32>
    %dot_general3A_67 = tpu.matmul %get3A_65, %get3A_57, %dot_general3A_66 {dimension_numbers = #tpu.dot_dimension_numbers<[1], [0], [0], [1], [0, 0, 1, 1], [], []>, transpose_lhs_hint = false} : vector<25x800xf32>, vector<800x800xf32>, vector<25x800xf32> -> vector<25x800xf32>
    %convert_element_type3A_68 = arith.fptosi %dot_general3A_62 : vector<25x800xf32> to vector<25x800xi32>
    %convert_element_type3A_69 = arith.fptosi %dot_general3A_67 : vector<25x800xf32> to vector<25x800xi32>
    %shift_left3A_70 = arith.constant 16 : i32
    %shift_left3A_71 = vector.broadcast %shift_left3A_70 : i32 to vector<25x800xi32>
    %shift_left3A_72 = arith.shli %convert_element_type3A_69, %shift_left3A_71 : vector<25x800xi32>
    %or3A_73 = arith.ori %convert_element_type3A_68, %shift_left3A_72 : vector<25x800xi32>
    %swap3A_74 = arith.constant 0 : index
    %swap3A_75 = arith.constant 2 : index
    %swap3A_76 = arith.constant 0 : index
    %swap3A_77 = arith.constant 0 : index
    %swap3A_78 = vector.load %arg4[%swap3A_74, %swap3A_75, %swap3A_76, %swap3A_77] : memref<1x4x25x800xi32, #tpu.memory_space<vmem>>, vector<1x1x25x800xi32>
    %swap3A_79 = vector.shape_cast %swap3A_78 : vector<1x1x25x800xi32> to vector<25x800xi32>
    %swap3A_80 = vector.shape_cast %or3A_73 : vector<25x800xi32> to vector<1x1x25x800xi32>
    tpu.vector_store %arg4[%swap3A_74, %swap3A_75, %swap3A_76, %swap3A_77], %swap3A_80 {strides = array<i32>} : memref<1x4x25x800xi32, #tpu.memory_space<vmem>>, vector<1x1x25x800xi32>,
    %get3A_81 = arith.constant 0 : index
    %get3A_82 = arith.constant 3 : index
    %get3A_83 = arith.constant 0 : index
    %get3A_84 = arith.constant 0 : index
    %get3A_85 = vector.load %arg3[%get3A_81, %get3A_82, %get3A_83, %get3A_84] : memref<1x4x800x800xf32, #tpu.memory_space<vmem>>, vector<1x1x800x800xf32>
    %get3A_86 = vector.shape_cast %get3A_85 : vector<1x1x800x800xf32> to vector<800x800xf32>
    %get3A_87 = arith.constant 0 : index
    %get3A_88 = arith.constant 0 : index
    %get3A_89 = vector.load %arg1[%get3A_87, %get3A_88] : memref<25x800xf32, #tpu.memory_space<vmem>>, vector<25x800xf32>
    %dot_general3A_90 = arith.constant dense<0.000000e+00> : vector<25x800xf32>
    %dot_general3A_91 = tpu.matmul %get3A_89, %get3A_86, %dot_general3A_90 {dimension_numbers = #tpu.dot_dimension_numbers<[1], [0], [0], [1], [0, 0, 1, 1], [], []>, transpose_lhs_hint = false} : vector<25x800xf32>, vector<800x800xf32>, vector<25x800xf32> -> vector<25x800xf32>
    %get3A_92 = arith.constant 0 : index
    %get3A_93 = arith.constant 0 : index
    %get3A_94 = vector.load %arg2[%get3A_92, %get3A_93] : memref<25x800xf32, #tpu.memory_space<vmem>>, vector<25x800xf32>
    %dot_general3A_95 = arith.constant dense<0.000000e+00> : vector<25x800xf32>
    %dot_general3A_96 = tpu.matmul %get3A_94, %get3A_86, %dot_general3A_95 {dimension_numbers = #tpu.dot_dimension_numbers<[1], [0], [0], [1], [0, 0, 1, 1], [], []>, transpose_lhs_hint = false} : vector<25x800xf32>, vector<800x800xf32>, vector<25x800xf32> -> vector<25x800xf32>
    %convert_element_type3A_97 = arith.fptosi %dot_general3A_91 : vector<25x800xf32> to vector<25x800xi32>
    %convert_element_type3A_98 = arith.fptosi %dot_general3A_96 : vector<25x800xf32> to vector<25x800xi32>
    %shift_left3A_99 = arith.constant 16 : i32
    %shift_left3A_100 = vector.broadcast %shift_left3A_99 : i32 to vector<25x800xi32>
    %shift_left3A_101 = arith.shli %convert_element_type3A_98, %shift_left3A_100 : vector<25x800xi32>
    %or3A_102 = arith.ori %convert_element_type3A_97, %shift_left3A_101 : vector<25x800xi32>
    %swap3A_103 = arith.constant 0 : index
    %swap3A_104 = arith.constant 3 : index
    %swap3A_105 = arith.constant 0 : index
    %swap3A_106 = arith.constant 0 : index
    %swap3A_107 = vector.load %arg4[%swap3A_103, %swap3A_104, %swap3A_105, %swap3A_106] : memref<1x4x25x800xi32, #tpu.memory_space<vmem>>, vector<1x1x25x800xi32>
    %swap3A_108 = vector.shape_cast %swap3A_107 : vector<1x1x25x800xi32> to vector<25x800xi32>
    %swap3A_109 = vector.shape_cast %or3A_102 : vector<25x800xi32> to vector<1x1x25x800xi32>
    tpu.vector_store %arg4[%swap3A_103, %swap3A_104, %swap3A_105, %swap3A_106], %swap3A_109 {strides = array<i32>} : memref<1x4x25x800xi32, #tpu.memory_space<vmem>>, vector<1x1x25x800xi32>,
    return
  }
  func.func @transform_0(%arg0: i32) -> (i32, i32) {
    %c0_i32 = arith.constant 0 : i32
    %c0_i32_0 = arith.constant 0 : i32
    %c0_i32_1 = arith.constant 0 : i32
    return %c0_i32, %c0_i32_0 : i32, i32
  }
  func.func @transform_1(%arg0: i32) -> (i32, i32) {
    %c0_i32 = arith.constant 0 : i32
    %c0_i32_0 = arith.constant 0 : i32
    %c0_i32_1 = arith.constant 0 : i32
    return %c0_i32, %c0_i32_0 : i32, i32
  }
  func.func @transform_2(%arg0: i32) -> (i32, i32, i32, i32) {
    %add3A = arith.constant 8 : i32
    %add3A_0 = arith.addi %add3A, %arg0 : i32
    %c0_i32 = arith.constant 0 : i32
    %c0_i32_1 = arith.constant 0 : i32
    %c0_i32_2 = arith.constant 0 : i32
    %c0_i32_3 = arith.constant 0 : i32
    return %add3A_0, %c0_i32, %c0_i32_1, %c0_i32_2 : i32, i32, i32, i32
  }
  func.func @transform_3(%arg0: i32) -> (i32, i32, i32, i32) {
    %c0_i32 = arith.constant 0 : i32
    %c0_i32_0 = arith.constant 0 : i32
    %c0_i32_1 = arith.constant 0 : i32
    %c0_i32_2 = arith.constant 0 : i32
    return %arg0, %c0_i32, %c0_i32_0, %c0_i32_1 : i32, i32, i32, i32
  }
}

module attributes {stable_mosaic.version = 14 : i64} {
  func.func @_pack_body(%arg0: i32, %arg1: memref<25x800xf32, #tpu.memory_space<vmem>>, %arg2: memref<25x800xf32, #tpu.memory_space<vmem>>, %arg3: memref<1x4x800x800xf32, #tpu.memory_space<vmem>>, %arg4: memref<1x4x25x800xi32, #tpu.memory_space<vmem>>) attributes {dimension_semantics = [#tpu.dimension_semantics<arbitrary>], iteration_bounds = array<i64: 8>, scalar_prefetch = 0 : i64, scratch_operands = 0 : i64, tpu.core_type = #tpu.core_type<tc>, window_params = [{pipeline_mode = #tpu.pipeline_mode<synchronous>, transform_indices = @transform_0, window_bounds = array<i64: 25, 800>}, {pipeline_mode = #tpu.pipeline_mode<synchronous>, transform_indices = @transform_1, window_bounds = array<i64: 25, 800>}, {transform_indices = @transform_2, window_bounds = array<i64: 1, 4, 800, 800>}, {transform_indices = @transform_3, window_bounds = array<i64: 1, 4, 25, 800>}]} {
    %get3A = arith.constant 0 : index
    %get3A_0 = arith.constant 0 : index
    %get3A_1 = arith.constant 0 : index
    %get3A_2 = arith.constant 0 : index
    %get3A_3 = vector.load %arg3[%get3A, %get3A_0, %get3A_1, %get3A_2] : memref<1x4x800x800xf32, #tpu.memory_space<vmem>>, vector<1x1x800x800xf32>
    %get3A_4 = vector.shape_cast %get3A_3 : vector<1x1x800x800xf32> to vector<800x800xf32>
    %get3A_5 = arith.constant 0 : index
    %get3A_6 = arith.constant 0 : index
    %get3A_7 = vector.load %arg1[%get3A_5, %get3A_6] : memref<25x800xf32, #tpu.memory_space<vmem>>, vector<25x800xf32>
    %dot_general3A = arith.constant dense<0.000000e+00> : vector<25x800xf32>
    %dot_general3A_8 = tpu.matmul %get3A_7, %get3A_4, %dot_general3A {dimension_numbers = #tpu.dot_dimension_numbers<[1], [0], [0], [1], [0, 0, 1, 1], [], []>, transpose_lhs_hint = false} : vector<25x800xf32>, vector<800x800xf32>, vector<25x800xf32> -> vector<25x800xf32>
    %get3A_9 = arith.constant 0 : index
    %get3A_10 = arith.constant 0 : index
    %get3A_11 = vector.load %arg2[%get3A_9, %get3A_10] : memref<25x800xf32, #tpu.memory_space<vmem>>, vector<25x800xf32>
    %dot_general3A_12 = arith.constant dense<0.000000e+00> : vector<25x800xf32>
    %dot_general3A_13 = tpu.matmul %get3A_11, %get3A_4, %dot_general3A_12 {dimension_numbers = #tpu.dot_dimension_numbers<[1], [0], [0], [1], [0, 0, 1, 1], [], []>, transpose_lhs_hint = false} : vector<25x800xf32>, vector<800x800xf32>, vector<25x800xf32> -> vector<25x800xf32>
    %convert_element_type3A = arith.fptosi %dot_general3A_8 : vector<25x800xf32> to vector<25x800xi32>
    %convert_element_type3A_14 = arith.fptosi %dot_general3A_13 : vector<25x800xf32> to vector<25x800xi32>
    %shift_left3A = arith.constant 16 : i32
    %shift_left3A_15 = vector.broadcast %shift_left3A : i32 to vector<25x800xi32>
    %shift_left3A_16 = arith.shli %convert_element_type3A_14, %shift_left3A_15 : vector<25x800xi32>
    %or3A = arith.ori %convert_element_type3A, %shift_left3A_16 : vector<25x800xi32>
    %swap3A = arith.constant 0 : index
    %swap3A_17 = arith.constant 0 : index
    %swap3A_18 = arith.constant 0 : index
    %swap3A_19 = arith.constant 0 : index
    %swap3A_20 = vector.load %arg4[%swap3A, %swap3A_17, %swap3A_18, %swap3A_19] : memref<1x4x25x800xi32, #tpu.memory_space<vmem>>, vector<1x1x25x800xi32>
    %swap3A_21 = vector.shape_cast %swap3A_20 : vector<1x1x25x800xi32> to vector<25x800xi32>
    %swap3A_22 = vector.shape_cast %or3A : vector<25x800xi32> to vector<1x1x25x800xi32>
    tpu.vector_store %arg4[%swap3A, %swap3A_17, %swap3A_18, %swap3A_19], %swap3A_22 {strides = array<i32>} : memref<1x4x25x800xi32, #tpu.memory_space<vmem>>, vector<1x1x25x800xi32>,
    %get3A_23 = arith.constant 0 : index
    %get3A_24 = arith.constant 1 : index
    %get3A_25 = arith.constant 0 : index
    %get3A_26 = arith.constant 0 : index
    %get3A_27 = vector.load %arg3[%get3A_23, %get3A_24, %get3A_25, %get3A_26] : memref<1x4x800x800xf32, #tpu.memory_space<vmem>>, vector<1x1x800x800xf32>
    %get3A_28 = vector.shape_cast %get3A_27 : vector<1x1x800x800xf32> to vector<800x800xf32>
    %get3A_29 = arith.constant 0 : index
    %get3A_30 = arith.constant 0 : index
    %get3A_31 = vector.load %arg1[%get3A_29, %get3A_30] : memref<25x800xf32, #tpu.memory_space<vmem>>, vector<25x800xf32>
    %dot_general3A_32 = arith.constant dense<0.000000e+00> : vector<25x800xf32>
    %dot_general3A_33 = tpu.matmul %get3A_31, %get3A_28, %dot_general3A_32 {dimension_numbers = #tpu.dot_dimension_numbers<[1], [0], [0], [1], [0, 0, 1, 1], [], []>, transpose_lhs_hint = false} : vector<25x800xf32>, vector<800x800xf32>, vector<25x800xf32> -> vector<25x800xf32>
    %get3A_34 = arith.constant 0 : index
    %get3A_35 = arith.constant 0 : index
    %get3A_36 = vector.load %arg2[%get3A_34, %get3A_35] : memref<25x800xf32, #tpu.memory_space<vmem>>, vector<25x800xf32>
    %dot_general3A_37 = arith.constant dense<0.000000e+00> : vector<25x800xf32>
    %dot_general3A_38 = tpu.matmul %get3A_36, %get3A_28, %dot_general3A_37 {dimension_numbers = #tpu.dot_dimension_numbers<[1], [0], [0], [1], [0, 0, 1, 1], [], []>, transpose_lhs_hint = false} : vector<25x800xf32>, vector<800x800xf32>, vector<25x800xf32> -> vector<25x800xf32>
    %convert_element_type3A_39 = arith.fptosi %dot_general3A_33 : vector<25x800xf32> to vector<25x800xi32>
    %convert_element_type3A_40 = arith.fptosi %dot_general3A_38 : vector<25x800xf32> to vector<25x800xi32>
    %shift_left3A_41 = arith.constant 16 : i32
    %shift_left3A_42 = vector.broadcast %shift_left3A_41 : i32 to vector<25x800xi32>
    %shift_left3A_43 = arith.shli %convert_element_type3A_40, %shift_left3A_42 : vector<25x800xi32>
    %or3A_44 = arith.ori %convert_element_type3A_39, %shift_left3A_43 : vector<25x800xi32>
    %swap3A_45 = arith.constant 0 : index
    %swap3A_46 = arith.constant 1 : index
    %swap3A_47 = arith.constant 0 : index
    %swap3A_48 = arith.constant 0 : index
    %swap3A_49 = vector.load %arg4[%swap3A_45, %swap3A_46, %swap3A_47, %swap3A_48] : memref<1x4x25x800xi32, #tpu.memory_space<vmem>>, vector<1x1x25x800xi32>
    %swap3A_50 = vector.shape_cast %swap3A_49 : vector<1x1x25x800xi32> to vector<25x800xi32>
    %swap3A_51 = vector.shape_cast %or3A_44 : vector<25x800xi32> to vector<1x1x25x800xi32>
    tpu.vector_store %arg4[%swap3A_45, %swap3A_46, %swap3A_47, %swap3A_48], %swap3A_51 {strides = array<i32>} : memref<1x4x25x800xi32, #tpu.memory_space<vmem>>, vector<1x1x25x800xi32>,
    %get3A_52 = arith.constant 0 : index
    %get3A_53 = arith.constant 2 : index
    %get3A_54 = arith.constant 0 : index
    %get3A_55 = arith.constant 0 : index
    %get3A_56 = vector.load %arg3[%get3A_52, %get3A_53, %get3A_54, %get3A_55] : memref<1x4x800x800xf32, #tpu.memory_space<vmem>>, vector<1x1x800x800xf32>
    %get3A_57 = vector.shape_cast %get3A_56 : vector<1x1x800x800xf32> to vector<800x800xf32>
    %get3A_58 = arith.constant 0 : index
    %get3A_59 = arith.constant 0 : index
    %get3A_60 = vector.load %arg1[%get3A_58, %get3A_59] : memref<25x800xf32, #tpu.memory_space<vmem>>, vector<25x800xf32>
    %dot_general3A_61 = arith.constant dense<0.000000e+00> : vector<25x800xf32>
    %dot_general3A_62 = tpu.matmul %get3A_60, %get3A_57, %dot_general3A_61 {dimension_numbers = #tpu.dot_dimension_numbers<[1], [0], [0], [1], [0, 0, 1, 1], [], []>, transpose_lhs_hint = false} : vector<25x800xf32>, vector<800x800xf32>, vector<25x800xf32> -> vector<25x800xf32>
    %get3A_63 = arith.constant 0 : index
    %get3A_64 = arith.constant 0 : index
    %get3A_65 = vector.load %arg2[%get3A_63, %get3A_64] : memref<25x800xf32, #tpu.memory_space<vmem>>, vector<25x800xf32>
    %dot_general3A_66 = arith.constant dense<0.000000e+00> : vector<25x800xf32>
    %dot_general3A_67 = tpu.matmul %get3A_65, %get3A_57, %dot_general3A_66 {dimension_numbers = #tpu.dot_dimension_numbers<[1], [0], [0], [1], [0, 0, 1, 1], [], []>, transpose_lhs_hint = false} : vector<25x800xf32>, vector<800x800xf32>, vector<25x800xf32> -> vector<25x800xf32>
    %convert_element_type3A_68 = arith.fptosi %dot_general3A_62 : vector<25x800xf32> to vector<25x800xi32>
    %convert_element_type3A_69 = arith.fptosi %dot_general3A_67 : vector<25x800xf32> to vector<25x800xi32>
    %shift_left3A_70 = arith.constant 16 : i32
    %shift_left3A_71 = vector.broadcast %shift_left3A_70 : i32 to vector<25x800xi32>
    %shift_left3A_72 = arith.shli %convert_element_type3A_69, %shift_left3A_71 : vector<25x800xi32>
    %or3A_73 = arith.ori %convert_element_type3A_68, %shift_left3A_72 : vector<25x800xi32>
    %swap3A_74 = arith.constant 0 : index
    %swap3A_75 = arith.constant 2 : index
    %swap3A_76 = arith.constant 0 : index
    %swap3A_77 = arith.constant 0 : index
    %swap3A_78 = vector.load %arg4[%swap3A_74, %swap3A_75, %swap3A_76, %swap3A_77] : memref<1x4x25x800xi32, #tpu.memory_space<vmem>>, vector<1x1x25x800xi32>
    %swap3A_79 = vector.shape_cast %swap3A_78 : vector<1x1x25x800xi32> to vector<25x800xi32>
    %swap3A_80 = vector.shape_cast %or3A_73 : vector<25x800xi32> to vector<1x1x25x800xi32>
    tpu.vector_store %arg4[%swap3A_74, %swap3A_75, %swap3A_76, %swap3A_77], %swap3A_80 {strides = array<i32>} : memref<1x4x25x800xi32, #tpu.memory_space<vmem>>, vector<1x1x25x800xi32>,
    %get3A_81 = arith.constant 0 : index
    %get3A_82 = arith.constant 3 : index
    %get3A_83 = arith.constant 0 : index
    %get3A_84 = arith.constant 0 : index
    %get3A_85 = vector.load %arg3[%get3A_81, %get3A_82, %get3A_83, %get3A_84] : memref<1x4x800x800xf32, #tpu.memory_space<vmem>>, vector<1x1x800x800xf32>
    %get3A_86 = vector.shape_cast %get3A_85 : vector<1x1x800x800xf32> to vector<800x800xf32>
    %get3A_87 = arith.constant 0 : index
    %get3A_88 = arith.constant 0 : index
    %get3A_89 = vector.load %arg1[%get3A_87, %get3A_88] : memref<25x800xf32, #tpu.memory_space<vmem>>, vector<25x800xf32>
    %dot_general3A_90 = arith.constant dense<0.000000e+00> : vector<25x800xf32>
    %dot_general3A_91 = tpu.matmul %get3A_89, %get3A_86, %dot_general3A_90 {dimension_numbers = #tpu.dot_dimension_numbers<[1], [0], [0], [1], [0, 0, 1, 1], [], []>, transpose_lhs_hint = false} : vector<25x800xf32>, vector<800x800xf32>, vector<25x800xf32> -> vector<25x800xf32>
    %get3A_92 = arith.constant 0 : index
    %get3A_93 = arith.constant 0 : index
    %get3A_94 = vector.load %arg2[%get3A_92, %get3A_93] : memref<25x800xf32, #tpu.memory_space<vmem>>, vector<25x800xf32>
    %dot_general3A_95 = arith.constant dense<0.000000e+00> : vector<25x800xf32>
    %dot_general3A_96 = tpu.matmul %get3A_94, %get3A_86, %dot_general3A_95 {dimension_numbers = #tpu.dot_dimension_numbers<[1], [0], [0], [1], [0, 0, 1, 1], [], []>, transpose_lhs_hint = false} : vector<25x800xf32>, vector<800x800xf32>, vector<25x800xf32> -> vector<25x800xf32>
    %convert_element_type3A_97 = arith.fptosi %dot_general3A_91 : vector<25x800xf32> to vector<25x800xi32>
    %convert_element_type3A_98 = arith.fptosi %dot_general3A_96 : vector<25x800xf32> to vector<25x800xi32>
    %shift_left3A_99 = arith.constant 16 : i32
    %shift_left3A_100 = vector.broadcast %shift_left3A_99 : i32 to vector<25x800xi32>
    %shift_left3A_101 = arith.shli %convert_element_type3A_98, %shift_left3A_100 : vector<25x800xi32>
    %or3A_102 = arith.ori %convert_element_type3A_97, %shift_left3A_101 : vector<25x800xi32>
    %swap3A_103 = arith.constant 0 : index
    %swap3A_104 = arith.constant 3 : index
    %swap3A_105 = arith.constant 0 : index
    %swap3A_106 = arith.constant 0 : index
    %swap3A_107 = vector.load %arg4[%swap3A_103, %swap3A_104, %swap3A_105, %swap3A_106] : memref<1x4x25x800xi32, #tpu.memory_space<vmem>>, vector<1x1x25x800xi32>
    %swap3A_108 = vector.shape_cast %swap3A_107 : vector<1x1x25x800xi32> to vector<25x800xi32>
    %swap3A_109 = vector.shape_cast %or3A_102 : vector<25x800xi32> to vector<1x1x25x800xi32>
    tpu.vector_store %arg4[%swap3A_103, %swap3A_104, %swap3A_105, %swap3A_106], %swap3A_109 {strides = array<i32>} : memref<1x4x25x800xi32, #tpu.memory_space<vmem>>, vector<1x1x25x800xi32>,
    return
  }
  func.func @transform_0(%arg0: i32) -> (i32, i32) {
    %c0_i32 = arith.constant 0 : i32
    %c0_i32_0 = arith.constant 0 : i32
    %c0_i32_1 = arith.constant 0 : i32
    return %c0_i32, %c0_i32_0 : i32, i32
  }
  func.func @transform_1(%arg0: i32) -> (i32, i32) {
    %c0_i32 = arith.constant 0 : i32
    %c0_i32_0 = arith.constant 0 : i32
    %c0_i32_1 = arith.constant 0 : i32
    return %c0_i32, %c0_i32_0 : i32, i32
  }
  func.func @transform_2(%arg0: i32) -> (i32, i32, i32, i32) {
    %add3A = arith.constant 16 : i32
    %add3A_0 = arith.addi %add3A, %arg0 : i32
    %c0_i32 = arith.constant 0 : i32
    %c0_i32_1 = arith.constant 0 : i32
    %c0_i32_2 = arith.constant 0 : i32
    %c0_i32_3 = arith.constant 0 : i32
    return %add3A_0, %c0_i32, %c0_i32_1, %c0_i32_2 : i32, i32, i32, i32
  }
  func.func @transform_3(%arg0: i32) -> (i32, i32, i32, i32) {
    %c0_i32 = arith.constant 0 : i32
    %c0_i32_0 = arith.constant 0 : i32
    %c0_i32_1 = arith.constant 0 : i32
    %c0_i32_2 = arith.constant 0 : i32
    return %arg0, %c0_i32, %c0_i32_0, %c0_i32_1 : i32, i32, i32, i32
  }
}

module attributes {stable_mosaic.version = 14 : i64} {
  func.func @_pack_body(%arg0: i32, %arg1: memref<25x800xf32, #tpu.memory_space<vmem>>, %arg2: memref<25x800xf32, #tpu.memory_space<vmem>>, %arg3: memref<1x4x800x800xf32, #tpu.memory_space<vmem>>, %arg4: memref<1x4x25x800xi32, #tpu.memory_space<vmem>>) attributes {dimension_semantics = [#tpu.dimension_semantics<arbitrary>], iteration_bounds = array<i64: 8>, scalar_prefetch = 0 : i64, scratch_operands = 0 : i64, tpu.core_type = #tpu.core_type<tc>, window_params = [{pipeline_mode = #tpu.pipeline_mode<synchronous>, transform_indices = @transform_0, window_bounds = array<i64: 25, 800>}, {pipeline_mode = #tpu.pipeline_mode<synchronous>, transform_indices = @transform_1, window_bounds = array<i64: 25, 800>}, {transform_indices = @transform_2, window_bounds = array<i64: 1, 4, 800, 800>}, {transform_indices = @transform_3, window_bounds = array<i64: 1, 4, 25, 800>}]} {
    %get3A = arith.constant 0 : index
    %get3A_0 = arith.constant 0 : index
    %get3A_1 = arith.constant 0 : index
    %get3A_2 = arith.constant 0 : index
    %get3A_3 = vector.load %arg3[%get3A, %get3A_0, %get3A_1, %get3A_2] : memref<1x4x800x800xf32, #tpu.memory_space<vmem>>, vector<1x1x800x800xf32>
    %get3A_4 = vector.shape_cast %get3A_3 : vector<1x1x800x800xf32> to vector<800x800xf32>
    %get3A_5 = arith.constant 0 : index
    %get3A_6 = arith.constant 0 : index
    %get3A_7 = vector.load %arg1[%get3A_5, %get3A_6] : memref<25x800xf32, #tpu.memory_space<vmem>>, vector<25x800xf32>
    %dot_general3A = arith.constant dense<0.000000e+00> : vector<25x800xf32>
    %dot_general3A_8 = tpu.matmul %get3A_7, %get3A_4, %dot_general3A {dimension_numbers = #tpu.dot_dimension_numbers<[1], [0], [0], [1], [0, 0, 1, 1], [], []>, transpose_lhs_hint = false} : vector<25x800xf32>, vector<800x800xf32>, vector<25x800xf32> -> vector<25x800xf32>
    %get3A_9 = arith.constant 0 : index
    %get3A_10 = arith.constant 0 : index
    %get3A_11 = vector.load %arg2[%get3A_9, %get3A_10] : memref<25x800xf32, #tpu.memory_space<vmem>>, vector<25x800xf32>
    %dot_general3A_12 = arith.constant dense<0.000000e+00> : vector<25x800xf32>
    %dot_general3A_13 = tpu.matmul %get3A_11, %get3A_4, %dot_general3A_12 {dimension_numbers = #tpu.dot_dimension_numbers<[1], [0], [0], [1], [0, 0, 1, 1], [], []>, transpose_lhs_hint = false} : vector<25x800xf32>, vector<800x800xf32>, vector<25x800xf32> -> vector<25x800xf32>
    %convert_element_type3A = arith.fptosi %dot_general3A_8 : vector<25x800xf32> to vector<25x800xi32>
    %convert_element_type3A_14 = arith.fptosi %dot_general3A_13 : vector<25x800xf32> to vector<25x800xi32>
    %shift_left3A = arith.constant 16 : i32
    %shift_left3A_15 = vector.broadcast %shift_left3A : i32 to vector<25x800xi32>
    %shift_left3A_16 = arith.shli %convert_element_type3A_14, %shift_left3A_15 : vector<25x800xi32>
    %or3A = arith.ori %convert_element_type3A, %shift_left3A_16 : vector<25x800xi32>
    %swap3A = arith.constant 0 : index
    %swap3A_17 = arith.constant 0 : index
    %swap3A_18 = arith.constant 0 : index
    %swap3A_19 = arith.constant 0 : index
    %swap3A_20 = vector.load %arg4[%swap3A, %swap3A_17, %swap3A_18, %swap3A_19] : memref<1x4x25x800xi32, #tpu.memory_space<vmem>>, vector<1x1x25x800xi32>
    %swap3A_21 = vector.shape_cast %swap3A_20 : vector<1x1x25x800xi32> to vector<25x800xi32>
    %swap3A_22 = vector.shape_cast %or3A : vector<25x800xi32> to vector<1x1x25x800xi32>
    tpu.vector_store %arg4[%swap3A, %swap3A_17, %swap3A_18, %swap3A_19], %swap3A_22 {strides = array<i32>} : memref<1x4x25x800xi32, #tpu.memory_space<vmem>>, vector<1x1x25x800xi32>,
    %get3A_23 = arith.constant 0 : index
    %get3A_24 = arith.constant 1 : index
    %get3A_25 = arith.constant 0 : index
    %get3A_26 = arith.constant 0 : index
    %get3A_27 = vector.load %arg3[%get3A_23, %get3A_24, %get3A_25, %get3A_26] : memref<1x4x800x800xf32, #tpu.memory_space<vmem>>, vector<1x1x800x800xf32>
    %get3A_28 = vector.shape_cast %get3A_27 : vector<1x1x800x800xf32> to vector<800x800xf32>
    %get3A_29 = arith.constant 0 : index
    %get3A_30 = arith.constant 0 : index
    %get3A_31 = vector.load %arg1[%get3A_29, %get3A_30] : memref<25x800xf32, #tpu.memory_space<vmem>>, vector<25x800xf32>
    %dot_general3A_32 = arith.constant dense<0.000000e+00> : vector<25x800xf32>
    %dot_general3A_33 = tpu.matmul %get3A_31, %get3A_28, %dot_general3A_32 {dimension_numbers = #tpu.dot_dimension_numbers<[1], [0], [0], [1], [0, 0, 1, 1], [], []>, transpose_lhs_hint = false} : vector<25x800xf32>, vector<800x800xf32>, vector<25x800xf32> -> vector<25x800xf32>
    %get3A_34 = arith.constant 0 : index
    %get3A_35 = arith.constant 0 : index
    %get3A_36 = vector.load %arg2[%get3A_34, %get3A_35] : memref<25x800xf32, #tpu.memory_space<vmem>>, vector<25x800xf32>
    %dot_general3A_37 = arith.constant dense<0.000000e+00> : vector<25x800xf32>
    %dot_general3A_38 = tpu.matmul %get3A_36, %get3A_28, %dot_general3A_37 {dimension_numbers = #tpu.dot_dimension_numbers<[1], [0], [0], [1], [0, 0, 1, 1], [], []>, transpose_lhs_hint = false} : vector<25x800xf32>, vector<800x800xf32>, vector<25x800xf32> -> vector<25x800xf32>
    %convert_element_type3A_39 = arith.fptosi %dot_general3A_33 : vector<25x800xf32> to vector<25x800xi32>
    %convert_element_type3A_40 = arith.fptosi %dot_general3A_38 : vector<25x800xf32> to vector<25x800xi32>
    %shift_left3A_41 = arith.constant 16 : i32
    %shift_left3A_42 = vector.broadcast %shift_left3A_41 : i32 to vector<25x800xi32>
    %shift_left3A_43 = arith.shli %convert_element_type3A_40, %shift_left3A_42 : vector<25x800xi32>
    %or3A_44 = arith.ori %convert_element_type3A_39, %shift_left3A_43 : vector<25x800xi32>
    %swap3A_45 = arith.constant 0 : index
    %swap3A_46 = arith.constant 1 : index
    %swap3A_47 = arith.constant 0 : index
    %swap3A_48 = arith.constant 0 : index
    %swap3A_49 = vector.load %arg4[%swap3A_45, %swap3A_46, %swap3A_47, %swap3A_48] : memref<1x4x25x800xi32, #tpu.memory_space<vmem>>, vector<1x1x25x800xi32>
    %swap3A_50 = vector.shape_cast %swap3A_49 : vector<1x1x25x800xi32> to vector<25x800xi32>
    %swap3A_51 = vector.shape_cast %or3A_44 : vector<25x800xi32> to vector<1x1x25x800xi32>
    tpu.vector_store %arg4[%swap3A_45, %swap3A_46, %swap3A_47, %swap3A_48], %swap3A_51 {strides = array<i32>} : memref<1x4x25x800xi32, #tpu.memory_space<vmem>>, vector<1x1x25x800xi32>,
    %get3A_52 = arith.constant 0 : index
    %get3A_53 = arith.constant 2 : index
    %get3A_54 = arith.constant 0 : index
    %get3A_55 = arith.constant 0 : index
    %get3A_56 = vector.load %arg3[%get3A_52, %get3A_53, %get3A_54, %get3A_55] : memref<1x4x800x800xf32, #tpu.memory_space<vmem>>, vector<1x1x800x800xf32>
    %get3A_57 = vector.shape_cast %get3A_56 : vector<1x1x800x800xf32> to vector<800x800xf32>
    %get3A_58 = arith.constant 0 : index
    %get3A_59 = arith.constant 0 : index
    %get3A_60 = vector.load %arg1[%get3A_58, %get3A_59] : memref<25x800xf32, #tpu.memory_space<vmem>>, vector<25x800xf32>
    %dot_general3A_61 = arith.constant dense<0.000000e+00> : vector<25x800xf32>
    %dot_general3A_62 = tpu.matmul %get3A_60, %get3A_57, %dot_general3A_61 {dimension_numbers = #tpu.dot_dimension_numbers<[1], [0], [0], [1], [0, 0, 1, 1], [], []>, transpose_lhs_hint = false} : vector<25x800xf32>, vector<800x800xf32>, vector<25x800xf32> -> vector<25x800xf32>
    %get3A_63 = arith.constant 0 : index
    %get3A_64 = arith.constant 0 : index
    %get3A_65 = vector.load %arg2[%get3A_63, %get3A_64] : memref<25x800xf32, #tpu.memory_space<vmem>>, vector<25x800xf32>
    %dot_general3A_66 = arith.constant dense<0.000000e+00> : vector<25x800xf32>
    %dot_general3A_67 = tpu.matmul %get3A_65, %get3A_57, %dot_general3A_66 {dimension_numbers = #tpu.dot_dimension_numbers<[1], [0], [0], [1], [0, 0, 1, 1], [], []>, transpose_lhs_hint = false} : vector<25x800xf32>, vector<800x800xf32>, vector<25x800xf32> -> vector<25x800xf32>
    %convert_element_type3A_68 = arith.fptosi %dot_general3A_62 : vector<25x800xf32> to vector<25x800xi32>
    %convert_element_type3A_69 = arith.fptosi %dot_general3A_67 : vector<25x800xf32> to vector<25x800xi32>
    %shift_left3A_70 = arith.constant 16 : i32
    %shift_left3A_71 = vector.broadcast %shift_left3A_70 : i32 to vector<25x800xi32>
    %shift_left3A_72 = arith.shli %convert_element_type3A_69, %shift_left3A_71 : vector<25x800xi32>
    %or3A_73 = arith.ori %convert_element_type3A_68, %shift_left3A_72 : vector<25x800xi32>
    %swap3A_74 = arith.constant 0 : index
    %swap3A_75 = arith.constant 2 : index
    %swap3A_76 = arith.constant 0 : index
    %swap3A_77 = arith.constant 0 : index
    %swap3A_78 = vector.load %arg4[%swap3A_74, %swap3A_75, %swap3A_76, %swap3A_77] : memref<1x4x25x800xi32, #tpu.memory_space<vmem>>, vector<1x1x25x800xi32>
    %swap3A_79 = vector.shape_cast %swap3A_78 : vector<1x1x25x800xi32> to vector<25x800xi32>
    %swap3A_80 = vector.shape_cast %or3A_73 : vector<25x800xi32> to vector<1x1x25x800xi32>
    tpu.vector_store %arg4[%swap3A_74, %swap3A_75, %swap3A_76, %swap3A_77], %swap3A_80 {strides = array<i32>} : memref<1x4x25x800xi32, #tpu.memory_space<vmem>>, vector<1x1x25x800xi32>,
    %get3A_81 = arith.constant 0 : index
    %get3A_82 = arith.constant 3 : index
    %get3A_83 = arith.constant 0 : index
    %get3A_84 = arith.constant 0 : index
    %get3A_85 = vector.load %arg3[%get3A_81, %get3A_82, %get3A_83, %get3A_84] : memref<1x4x800x800xf32, #tpu.memory_space<vmem>>, vector<1x1x800x800xf32>
    %get3A_86 = vector.shape_cast %get3A_85 : vector<1x1x800x800xf32> to vector<800x800xf32>
    %get3A_87 = arith.constant 0 : index
    %get3A_88 = arith.constant 0 : index
    %get3A_89 = vector.load %arg1[%get3A_87, %get3A_88] : memref<25x800xf32, #tpu.memory_space<vmem>>, vector<25x800xf32>
    %dot_general3A_90 = arith.constant dense<0.000000e+00> : vector<25x800xf32>
    %dot_general3A_91 = tpu.matmul %get3A_89, %get3A_86, %dot_general3A_90 {dimension_numbers = #tpu.dot_dimension_numbers<[1], [0], [0], [1], [0, 0, 1, 1], [], []>, transpose_lhs_hint = false} : vector<25x800xf32>, vector<800x800xf32>, vector<25x800xf32> -> vector<25x800xf32>
    %get3A_92 = arith.constant 0 : index
    %get3A_93 = arith.constant 0 : index
    %get3A_94 = vector.load %arg2[%get3A_92, %get3A_93] : memref<25x800xf32, #tpu.memory_space<vmem>>, vector<25x800xf32>
    %dot_general3A_95 = arith.constant dense<0.000000e+00> : vector<25x800xf32>
    %dot_general3A_96 = tpu.matmul %get3A_94, %get3A_86, %dot_general3A_95 {dimension_numbers = #tpu.dot_dimension_numbers<[1], [0], [0], [1], [0, 0, 1, 1], [], []>, transpose_lhs_hint = false} : vector<25x800xf32>, vector<800x800xf32>, vector<25x800xf32> -> vector<25x800xf32>
    %convert_element_type3A_97 = arith.fptosi %dot_general3A_91 : vector<25x800xf32> to vector<25x800xi32>
    %convert_element_type3A_98 = arith.fptosi %dot_general3A_96 : vector<25x800xf32> to vector<25x800xi32>
    %shift_left3A_99 = arith.constant 16 : i32
    %shift_left3A_100 = vector.broadcast %shift_left3A_99 : i32 to vector<25x800xi32>
    %shift_left3A_101 = arith.shli %convert_element_type3A_98, %shift_left3A_100 : vector<25x800xi32>
    %or3A_102 = arith.ori %convert_element_type3A_97, %shift_left3A_101 : vector<25x800xi32>
    %swap3A_103 = arith.constant 0 : index
    %swap3A_104 = arith.constant 3 : index
    %swap3A_105 = arith.constant 0 : index
    %swap3A_106 = arith.constant 0 : index
    %swap3A_107 = vector.load %arg4[%swap3A_103, %swap3A_104, %swap3A_105, %swap3A_106] : memref<1x4x25x800xi32, #tpu.memory_space<vmem>>, vector<1x1x25x800xi32>
    %swap3A_108 = vector.shape_cast %swap3A_107 : vector<1x1x25x800xi32> to vector<25x800xi32>
    %swap3A_109 = vector.shape_cast %or3A_102 : vector<25x800xi32> to vector<1x1x25x800xi32>
    tpu.vector_store %arg4[%swap3A_103, %swap3A_104, %swap3A_105, %swap3A_106], %swap3A_109 {strides = array<i32>} : memref<1x4x25x800xi32, #tpu.memory_space<vmem>>, vector<1x1x25x800xi32>,
    return
  }
  func.func @transform_0(%arg0: i32) -> (i32, i32) {
    %c0_i32 = arith.constant 0 : i32
    %c0_i32_0 = arith.constant 0 : i32
    %c0_i32_1 = arith.constant 0 : i32
    return %c0_i32, %c0_i32_0 : i32, i32
  }
  func.func @transform_1(%arg0: i32) -> (i32, i32) {
    %c0_i32 = arith.constant 0 : i32
    %c0_i32_0 = arith.constant 0 : i32
    %c0_i32_1 = arith.constant 0 : i32
    return %c0_i32, %c0_i32_0 : i32, i32
  }
  func.func @transform_2(%arg0: i32) -> (i32, i32, i32, i32) {
    %add3A = arith.constant 24 : i32
    %add3A_0 = arith.addi %add3A, %arg0 : i32
    %c0_i32 = arith.constant 0 : i32
    %c0_i32_1 = arith.constant 0 : i32
    %c0_i32_2 = arith.constant 0 : i32
    %c0_i32_3 = arith.constant 0 : i32
    return %add3A_0, %c0_i32, %c0_i32_1, %c0_i32_2 : i32, i32, i32, i32
  }
  func.func @transform_3(%arg0: i32) -> (i32, i32, i32, i32) {
    %c0_i32 = arith.constant 0 : i32
    %c0_i32_0 = arith.constant 0 : i32
    %c0_i32_1 = arith.constant 0 : i32
    %c0_i32_2 = arith.constant 0 : i32
    return %arg0, %c0_i32, %c0_i32_0, %c0_i32_1 : i32, i32, i32, i32
  }
}

</mosaic_0001>

<sc_bundles>
// kernel: kernel.11.cloned.1.call-start
scs
__scs_entry_jumppad:
0x0: {  	(pc) =	sbr.rel $0x88, $3  }
0x1: {  	(tag) =	ssettag $0x0;
	lr =	simm.s32 $0x1  }
0x2: {  	[smem:$0x3F9D] =	sst lr;
	_ =	strace $0xD0000000  }
0x3: {  	_ = 	snop  }
0x4: {  	_ = 	snop  }
0x5: {  	_ = 	snop  }
0x6: {  	_ = 	snop  }
0x7: {  	_ = 	snop  }
__scs_overlays_trampoline_lowered:
0x8: {  	[smem:$0x3FAC] =	sst s0  }
0x9: {  	[smem:$0x3FAD] =	sst s1  }
0xa: {  	[smem:$0x3FAE] =	sst s2  }
0xb: {  	[smem:$0x3FAF] =	sst s3  }
0xc: {  	[smem:$0x3FB0] =	sst s4  }
0xd: {  	[smem:$0x3FB1] =	sst s5  }
0xe: {  	[smem:$0x3FB2] =	sst s6  }
0xf: {  	[smem:$0x3FB3] =	sst s7  }
0x10: {  	[smem:$0x3FB4] =	sst s8  }
0x11: {  	[smem:$0x3FB5] =	sst s9;
	s0 =	simm.s32 @!p0 $0x0  }
0x12: {  	s1 =	sld [smem:$0x3F9B];
	s0 =	simm.s32 @p0 $0x1  }
0x13: {  	[smem:$0x3FB6] =	sst s0;
	s0 =	simm.s32 @!p1 $0x0  }
0x14: {  	s2 =	sld [smem:$0x3F9A];
	s0 =	simm.s32 @p1 $0x1  }
0x15: {  	[smem:$0x3FB7] =	sst s0;
	s0 =	simm.s32 @!p2 $0x0  }
0x16: {  	s3 =	sld [smem:$0x3FDB];
	s0 =	simm.s32 @p2 $0x1  }
0x17: {  	s4 =	simm.s32 $0x1BF5;
	[smem:$0x3FB9] =	sst s0  }
0x18: {  	s0 =	sld [smem:$0x3F9C];
	_ =	swait.ge [sflag:s4], $0x0  }
0x19: {  	s7 =	sld [smem:$0x3F9D]  }
0x1a: {  	s8 =	sadd.s32 $0xFFFFE003, lr  }
0x1b: {  	s9 =	sadd.s32 $0xFFFFFEF7, lr;
	s5 =	simm.s32 $0xFFFFFFFF;
	p2 =	slt.u32 s8, $0xFFFFF086  }
0x1c: {  	p1 =	slt.u32 s9, $0xF7A;
	s5 =	simm.s32 @!p2 $0x0  }
0x1d: {  	s5 =	simm.s32 @p1 $0x1;
	p0 =	seq.s32 s7, s2  }
0x1e: {  	s7 =	smul.u32 @!p0 $0xF7A, s2;
	p2 =	seq.s32 @!p0 s5, $0x0  }
0x1f: {  	s9 =	smul.u32 $0xF7A, s1;
	s8 =	simm.s32 @!p0 $0x1BF5;
	p2 =	por !p2, p0  }
0x20: {  	[sflag:s8] =	ssyncset.s32 @!p0 $0xFFFFF086;
	s6 =	sadd.s32 @!p0 s3, s7;
	s7 =	simm.s32 @!p0 $0x108  }
0x21: {  	s3 =	sadd.s32 s3, s9;
	s6 =	sadd.s32 @!p0 $0x88, s6;
	s7 =	simm.s32 @p2 $0x1082  }
0x22: {  	[simem:s7], [sflag:s8] =	dma.local @!p0 [hbm:s6], $0xF7A  }
0x23: {  	s9 =	sor.u32 $0xD0000000, s2;
	s6 =	simm.s32 $0x108;
	_ =	swait.ge @!p0 [sflag:s8], $0x0  }
0x24: {  	s3 =	sadd.s32 $0x88, s3;
	s6 =	simm.s32 @!p1 $0x1082;
	[sflag:s4] =	ssyncset.s32 $0xFFFFF086  }
0x25: {  	[simem:s6], [sflag:s4] =	dma.local [hbm:s3], $0xF7A  }
0x26: {  	[smem:$0x3F9D] =	sst s1;
	(tag) =	ssettag s2;
	_ =	strace s9  }
0x27: {  	s1 =	sld [smem:$0x3FAD]  }
0x28: {  	s2 =	sld [smem:$0x3FAE]  }
0x29: {  	s4 =	sld [smem:$0x3FB0]  }
0x2a: {  	p0 =	seq.s32 s5, $0x0;
	s5 =	sld [smem:$0x3FB1]  }
0x2b: {  	s6 =	sld [smem:$0x3FB2]  }
0x2c: {  	s7 =	sld [smem:$0x3FB3]  }
0x2d: {  	s3 =	simm.s32 $0x108;
	s8 =	sld [smem:$0x3FB4]  }
0x2e: {  	s3 =	simm.s32 @!p0 $0x1082;
	s9 =	sld [smem:$0x3FB5]  }
0x2f: {  	lr =	sadd.s32 s0, s3;
	s0 =	sld [smem:$0x3FAC]  }
0x30: {  	s3 =	sld [smem:$0x3FAF]  }
0x31: {  	[smem:$0x3FB8] =	sst s10  }
0x32: {  	s10 =	sld [smem:$0x3FB6];
	_ =	sdelay $0x3  }
0x33: {  	p0 =	seq.s32 s10, $0x1;
	s10 =	sld [smem:$0x3FB8];
	_ =	sdelay $0x3  }
0x34: {  	[smem:$0x3FB8] =	sst s10  }
0x35: {  	s10 =	sld [smem:$0x3FB7];
	_ =	sdelay $0x3  }
0x36: {  	p1 =	seq.s32 s10, $0x1;
	s10 =	sld [smem:$0x3FB8];
	_ =	sdelay $0x3  }
0x37: {  	[smem:$0x3FB8] =	sst s10  }
0x38: {  	s10 =	sld [smem:$0x3FB9]  }
0x39: {  	_ = 	snop;
	(pc) =	sbr.ind lr, $3  }
0x3a: {  	_ = 	snop  }
0x3b: {  	_ = 	snop  }
0x3c: {  	p2 =	seq.s32 s10, $0x1;
	s10 =	sld [smem:$0x3FB8]  }
0x3d: {  	_ =	shalt  }
0x3e: {  	_ =	shalt  }
0x3f: {  	_ =	shalt  }
0x40: {  	_ =	shalt  }
0x41: {  	_ =	shalt  }
0x42: {  	_ =	shalt  }
0x43: {  	_ =	shalt  }
0x44: {  	_ =	shalt  }
0x45: {  	_ =	shalt  }
0x46: {  	_ =	shalt  }
0x47: {  	_ =	shalt  }
0x48: {  	_ =	shalt  }
0x49: {  	_ =	shalt  }
0x4a: {  	_ =	shalt  }
0x4b: {  	_ =	shalt  }
0x4c: {  	_ =	shalt  }
0x4d: {  	_ =	shalt  }
0x4e: {  	_ =	shalt  }
0x4f: {  	_ =	shalt  }
0x50: {  	_ =	shalt  }
0x51: {  	_ =	shalt  }
0x52: {  	_ =	shalt  }
0x53: {  	_ =	shalt  }
0x54: {  	_ =	shalt  }
0x55: {  	_ =	shalt  }
0x56: {  	_ =	shalt  }
0x57: {  	_ =	shalt  }
0x58: {  	_ =	shalt  }
0x59: {  	_ =	shalt  }
0x5a: {  	_ =	shalt  }
0x5b: {  	_ =	shalt  }
0x5c: {  	_ =	shalt  }
0x5d: {  	_ =	shalt  }
0x5e: {  	_ =	shalt  }
0x5f: {  	_ =	shalt  }
0x60: {  	_ =	shalt  }
0x61: {  	_ =	shalt  }
0x62: {  	_ =	shalt  }
0x63: {  	_ =	shalt  }
0x64: {  	_ =	shalt  }
0x65: {  	_ =	shalt  }
0x66: {  	_ =	shalt  }
0x67: {  	_ =	shalt  }
0x68: {  	_ =	shalt  }
0x69: {  	_ =	shalt  }
0x6a: {  	_ =	shalt  }
0x6b: {  	_ =	shalt  }
0x6c: {  	_ =	shalt  }
0x6d: {  	_ =	shalt  }
0x6e: {  	_ =	shalt  }
0x6f: {  	_ =	shalt  }
0x70: {  	_ =	shalt  }
0x71: {  	_ =	shalt  }
0x72: {  	_ =	shalt  }
0x73: {  	_ =	shalt  }
0x74: {  	_ =	shalt  }
0x75: {  	_ =	shalt  }
0x76: {  	_ =	shalt  }
0x77: {  	_ =	shalt  }
0x78: {  	_ =	shalt  }
0x79: {  	_ =	shalt  }
0x7a: {  	_ =	shalt  }
0x7b: {  	_ =	shalt  }
0x7c: {  	_ =	shalt  }
0x7d: {  	_ =	shalt  }
0x7e: {  	_ =	shalt  }
0x7f: {  	_ =	shalt  }
0x80: {  	_ =	shalt  }
0x81: {  	_ =	shalt  }
0x82: {  	_ =	shalt  }
0x83: {  	_ =	shalt  }
0x84: {  	_ =	shalt  }
0x85: {  	_ =	shalt  }
0x86: {  	_ =	shalt  }
0x87: {  	_ =	shalt  }
.Lfunc_end0:
.L_simem_size_0:
called_computation_lowered:
.L_overlay_start_0:
0x88: {  	s2 =	sld [smem:$0x3FD9]  }
0x89: {  	s3 =	sld [smem:$0x3FFE];
	_ =	sdelay $0x1  }
0x8a: {  	s1 =	srdreg.scid  }
0x8b: {  	s0 =	sand.u32 $0x1, s1  }
0x8c: {  	s16 =	sshll.u32 s0, $0xA;
	s2 =	sadd.s32 s3, s2  }
0x8d: {  	s2 =	sadd.s32 s2, s16  }
0x8e: {  	[smem:$0x3FC4] =	sst s2  }
0x8f: {  	_ = 	snop  }
0x90: {  	(tm) =	ssettm $0x1  }
0x91: {  	s17 =	sld [smem:$0x3FFB];
	_ =	sdelay $0x3  }
0x92: {  	_ =	strace s17  }
0x93: {  	s2 =	sld [smem:$0x3FFC];
	_ =	sdelay $0x3  }
0x94: {  	_ =	strace s2  }
0x95: {  	s2 =	sld [smem:$0x3FFD];
	_ =	sdelay $0x3  }
0x96: {  	_ =	strace s2  }
0x97: {  	_ =	strace $0x8FFFFFFF  }
0x98: {  	s18 =	sld [smem:$0x3FDB];
	_ =	sdelay $0x1  }
0x99: {  	s19 =	simm.s32 $_scs_section_size  }
0x9a: {  	s4 =	simm.s32 $_size__tile_overlayer_lowered;
	s5 =	simm.s32 $_tile_overlayer_lowered  }
0x9b: {  	s22 =	simm.s32 $0x1BFF;
	s21 =	sshll.u32 s5, $0x1;
	s2 =	sadd.s32 s19, s18  }
0x9c: {  	s6 =	simm.s32 $0x0;
	s20 =	sshll.u32 s4, $0x1;
	s4 =	sadd.s32 s21, s2  }
0x9d: {  	[timem:s6], [sflag:s22] =	dma.local [hbm:s4], s20  }
0x9e: {  	_ =	swait.ge [sflag:s22], s20  }
0x9f: {  	s3 =	ssub.s32 $0x0, s20;
	[sflag:s22] =	ssyncset.done $0x0  }
0xa0: {  	[sflag:s22] =	ssyncadd.s32 s3;
	_ =	sdelay $0x1  }
0xa1: {  	s23 =	simm.s32 $0x1B8B  }
0xa2: {  	_ =	swait.ge [sflag:s23], $0x1  }
0xa3: {  	[sflag:s23] =	ssyncset.done $0x0  }
0xa4: {  	s25 =	simm.s32 $0x1B8E;
	s24 =	sld [smem:$0x3FFE];
	[sflag:s23] =	ssyncadd.s32 $0xFFFFFFFF  }
0xa5: {  	s26 =	simm.s32 $execute0_lowered;
	[smem:$0x3FD2] =	sst s25  }
0xa6: {  	s4 =	sshll.u32 s26, $0x1;
	_ =	strace $0x80000046;
	[dreg:$0x1] =	wrdreg $0xFFFFFFFF  }
0xa7: {  	s28 =	simm.s32 $_size_execute0_lowered;
	s2 =	sadd.s32 s2, s4;
	[dreg:$0x0] =	wrdreg $0x0  }
0xa8: {  	s4 =	sshll.u32 s28, $0x1;
	[dreg:$0x2] =	wrdreg s2  }
0xa9: {  	[dreg:$0x3] =	wrdreg s4  }
0xaa: {  	[dreg:$0x4] =	wrdreg $0xC0  }
0xab: {  	_ =	task [dreg:s6], $0x5FFFF  }
0xac: {  	[dreg:$0x1] =	wrdreg $0xFFFFFFFF  }
0xad: {  	[dreg:$0x0] =	wrdreg $0x60  }
0xae: {  	[dreg:$0x2] =	wrdreg s24  }
0xaf: {  	[dreg:$0x3] =	wrdreg $0x9  }
0xb0: {  	_ =	task.clear_ibuf [dreg:s6], $0x4FFFF;
	_ =	strace $0x90000046  }
0xb1: {  	s29 =	simm.s32 $0x9;
	_ =	strace $0x80000048  }
0xb2: {  	_ =	swait.ge [sflag:s29], $0x1  }
0xb3: {  	[sflag:s29] =	ssyncadd.s32 $0xFFFFFFFF  }
0xb4: {  	_ =	strace $0x90000048  }
0xb5: {  	_ =	sfence  }
0xb6: {  	s30 =	sld [smem:$0x0];
	_ =	sdelay $0x2  }
0xb7: {  	s31 =	sshll.u32 s1, $0xD;
	s1 =	sshrl.u32 s1, $0x2  }
0xb8: {  	s3 =	sand.u32 $0x4000, s31;
	s1 =	sadd.s32 s1, s30  }
0xb9: {  	s0 =	sor.u32 s3, s0;
	s1 =	sshll.u32 s1, $0x11  }
0xba: {  	s0 =	sor.u32 s1, s0  }
0xbb: {  	s0 =	sadd.s32 $0x8F2B, s0  }
0xbc: {  	[sflag:s0] =	ssyncadd.remote.s32 $0x1  }
0xbd: {  	_ =	sfence.sel $0xFFFF  }
0xbe: {  	[dreg:$0x0] =	wrdreg $0xFFFFFFFF;
	(pc) =	sbr.abs _section_cstart, $3  }
0xbf: {  	[dreg:$0x1] =	wrdreg $0xFFFFFFFF  }
0xc0: {  	_ =	task.clear_ibuf [dreg:s6], $0x2FFFF;
	_ =	strace $0x9FFFFFFF  }
0xc1: {  	(tm) =	ssettm $0x7FFFFFFF  }
tec
execute0_lowered:
.L_overlay_start_1:
0x0: {  	(tag) =	ssettag $0x1  }
0x1: {  	s1 =	srdreg.scid  }
0x2: {  	s0 =	stileid.u32;
	s5 =	rddreg [dreg:$0x0]  }
0x3: {  	s2 =	simm.s32 $0x0;
	s11 =	simm.s32 $0x9000;
	s12 =	simm.s32 $0x0  }
0x4: {  	s3 =	sand.u32 $0x1, s1;
	s28 =	sshll.u32 s0, $0x1;
	s1 =	rddreg [dreg:$0x1]  }
0x5: {  	s29 =	sshrl.u32 s0, $0x1;
	[smem:$0x7FF] =	sst s2;
	s4 =	sor.u32 s3, s28  }
0x6: {  	s9 =	sshll.u32 s0, $0xB;
	s7 =	smul.u32 $0x1C000, s29;
	s6 =	sand.u32 $0x3, s4  }
0x7: {  	s3 =	ssub.s32 $0x2, s3;
	s4 =	sshll.u32 s4, $0x4;
	s8 =	smul.u32 $0x7000, s6  }
0x8: {  	_ =	strace $0x80000047;
	s30 =	sshrl.u32 s3, $0x1;
	s4 =	sor.u32 s9, s4  }
0x9: {  	s31 =	ssub.s32 s3, s30;
	s10 =	smul.u32 $0xFFFFFFE7, s6;
	s7 =	sadd.s32 s7, s8  }
0xa: {  	s9 =	simm.s32 $0x400;
	s4 =	sand.u32 $0x6070, s4;
	s7 =	sshrl.u32 s7, $0x3  }
0xb: {  	s6 =	smax.u32 s31, $0x1;
	s8 =	simm.s32 $0x80;
	s7 =	sadd.s32 s7, s5  }
0xc: {  	v0 =	vmov s10;
	s10 =	simm.s32 $0x7000;
	s5 =	sadd.s32 s4, s5;
	s3 =	sadd.s32 $0x2200, s7  }
0xd: {  	s4 =	sadd.s32 $0x1E200, s5;
	s5 =	sadd.s32 $0x3E200, s5;
	s7 =	simm.s32 $0x1  }
.LBB2_1:
0xe: {  	[tilespmem:s2], [sflag:$0x1] =	stream.linear.gather [hbm4b:s3+s2], $0x7000, $0x38;
	[tilespmem:$0xB000] =	vst v63  }
0xf: {  	_ =	swait.ge [sflag:s7], $0x7000  }
0x10: {  	[sflag:s7] =	ssyncset.done $0x0  }
0x11: {  	[sflag:s7] =	ssyncadd.s32 $0xFFFF9000  }
0x12: {  	[tilespmem:s10], [sflag:$0x1] =	stream.strided.gather [hbm4b:s4+s8], $0x2000, s9, s8, $0x38;
	[tilespmem:$0xB000] =	vst v63  }
0x13: {  	_ =	swait.ge [sflag:s7], $0x2000  }
0x14: {  	[sflag:s7] =	ssyncset.done $0x0  }
0x15: {  	s14 =	simm.s32 $0x0;
	[sflag:s7] =	ssyncadd.s32 $0xFFFFE000  }
0x16: {  	v2 =	vld [tilespmem:s14+$0x7000];
	_ =	sdelay $0x4  }
0x17: {  	v1 =	vshra.s32 v2, $0xF  }
0x18: {  	v3 =	vadd.s32 v0, v1  }
0x19: {  	v4 =	vshrl.u32 v3, $0x3  }
0x1a: {  	v5 =	vshrl.u32 v2, $0x2;
	v4 =	vmul.u32 $0x1C00, v4  }
0x1b: {  	s13 =	simm.s32 $0x10;
	v5 =	vand.u32 $0x1C00, v5;
	v3 =	vshll.u32 v3, $0x7  }
0x1c: {  	v6 =	vshrl.u32 v2, $0x5;
	v1 =	vld [tilespmem:s13+$0x7000];
	v3 =	vand.u32 $0x380, v3;
	v4 =	vadd.s32 v5, v4  }
0x1d: {  	v5 =	vand.u32 $0x7F, v6;
	v3 =	vor.u32 v3, v4  }
0x1e: {  	v3 =	vor.u32 v5, v3;
	_ =	sdelay $0x2  }
0x1f: {  	v4 =	vshra.s32 v1, $0xF  }
0x20: {  	v4 =	vadd.s32 v0, v4  }
0x21: {  	v5 =	vshrl.u32 v4, $0x3;
	v3 =	vld.idx.msk [tilespmem:v3+s2+$0x0], $0xffff  }
0x22: {  	v6 =	vshrl.u32 v1, $0x2;
	v5 =	vmul.u32 $0x1C00, v5  }
0x23: {  	v6 =	vand.u32 $0x1C00, v6;
	v7 =	vshll.u32 v4, $0x7  }
0x24: {  	s15 =	simm.s32 $0x20;
	s16 =	simm.s32 $0xC0;
	v4 =	vshrl.u32 v1, $0x5;
	v5 =	vadd.s32 v6, v5;
	v6 =	vand.u32 $0x380, v7  }
.LBB2_2:
0x25: {  	p0 =	sne.s32 s16, $0x7FC0;
	v4 =	vand.u32 $0x7F, v4;
	v5 =	vor.u32 v6, v5;
	v6 =	vand.u32 $0x1F, v2;
	v2 =	vmovc v1;
	v1 =	vld [tilespmem:s15+$0x7000]  }
0x26: {  	v4 =	vor.u32 v4, v5;
	v3 =	vshrl.u32 v3, v6  }
0x27: {  	v3 =	vand.u32 $0x1, v3  }
0x28: {  	v3 =	vcvt.s32.f32 v3;
	_ =	sdelay $0x1  }
0x29: {  	v5 =	vshra.s32 v1, $0xF;
	[tilespmem:s14+$0x9000] =	vst v3;
	s14 =	smov.u32 s13;
	s13 =	smov.u32 s15  }
.Ltmp0:
0x2a: {  	v5 =	vadd.s32 v0, v5;
	v3 =	vld.idx.msk [tilespmem:v4+s2+$0x0], $0xffff;
	(pc) =	sbr.rel @p0 .LBB2_2-.Ltmp0, $4  }
0x2b: {  	v4 =	vshrl.u32 v5, $0x3  }
0x2c: {  	v6 =	vmul.u32 $0x1C00, v4;
	v4 =	vshrl.u32 v1, $0x2  }
0x2d: {  	v8 =	vshll.u32 v5, $0x7;
	v7 =	vand.u32 $0x1C00, v4  }
0x2e: {  	s15 =	sshra.s32 s16, $0x2;
	s16 =	sadd.s32 $0x40, s16;
	v4 =	vshrl.u32 v1, $0x5;
	v5 =	vadd.s32 v7, v6;
	v6 =	vand.u32 $0x380, v8  }
0x2f: {  	v7 =	vld [tilespmem:s15+$0x7000]  }
0x30: {  	v4 =	vand.u32 $0x7F, v4;
	v5 =	vor.u32 v6, v5;
	v2 =	vand.u32 $0x1F, v2  }
0x31: {  	v4 =	vor.u32 v4, v5;
	v2 =	vshrl.u32 v3, v2  }
0x32: {  	v2 =	vand.u32 $0x1, v2  }
0x33: {  	v2 =	vcvt.s32.f32 v2  }
0x34: {  	v3 =	vshra.s32 v7, $0xF  }
0x35: {  	[tilespmem:s14+$0x9000] =	vst v2;
	v2 =	vadd.s32 v0, v3  }
0x36: {  	v3 =	vld.idx.msk [tilespmem:v4+s2+$0x0], $0xffff;
	v60 =	vshrl.u32 v2, $0x3  }
0x37: {  	v61 =	vshrl.u32 v7, $0x2;
	v4 =	vmul.u32 $0x1C00, v60  }
0x38: {  	v5 =	vand.u32 $0x1C00, v61;
	v2 =	vshll.u32 v2, $0x7  }
0x39: {  	v62 =	vshrl.u32 v7, $0x5;
	v2 =	vand.u32 $0x380, v2;
	v4 =	vadd.s32 v5, v4  }
0x3a: {  	v1 =	vand.u32 $0x1F, v1;
	v63 =	vand.u32 $0x7F, v62;
	v2 =	vor.u32 v2, v4  }
0x3b: {  	v1 =	vshrl.u32 v3, v1;
	v2 =	vor.u32 v63, v2  }
0x3c: {  	v1 =	vand.u32 $0x1, v1  }
0x3d: {  	v1 =	vcvt.s32.f32 v1;
	_ =	sdelay $0x1  }
0x3e: {  	[tilespmem:s13+$0x9000] =	vst v1  }
0x3f: {  	v1 =	vld.idx.msk [tilespmem:v2+s2+$0x0], $0xffff;
	_ =	sdelay $0x3  }
0x40: {  	v2 =	vand.u32 $0x1F, v7  }
0x41: {  	v1 =	vshrl.u32 v1, v2  }
0x42: {  	v1 =	vand.u32 $0x1, v1  }
0x43: {  	s12 =	sadd.s32 $0x1, s12;
	v1 =	vcvt.s32.f32 v1  }
0x44: {  	p0 =	sne.s32 s12, s6  }
.Ltmp1:
0x45: {  	[tilespmem:s15+$0x9000] =	vst v1;
	(pc) =	sbr.rel @p0 .LBB2_1-.Ltmp1, $4  }
0x46: {  	[hbm4b:s5+s8] =	stream.strided.scatter [tilespmem:s11], [sflag:$0x1], $0x2000, s9, s8, $0x38;
	[tilespmem:$0xB000] =	vst v63  }
0x47: {  	_ =	swait.ge [sflag:s7], $0x2000  }
0x48: {  	[sflag:s7] =	ssyncset.done $0x0  }
0x49: {  	[sflag:s7] =	ssyncadd.s32 $0xFFFFE000  }
0x4a: {  	_ =	sfence.sel $0x180000  }
0x4b: {  	[bflag:$0x0] =	sbarrier.arrive $0xFFFF  }
0x4c: {  	p0 =	sne.s32 s0, $0x0;
	_ =	strace $0x90000047  }
0x4d: {  	s0 =	sadd.s32 @!p0 $0x100000, s1;
	[bflag:$0x2] =	sbarrier.arrive $0xFFFF  }
0x4e: {  	[sflag:s0] =	ssyncadd.tile.s32 @!p0 $0x1;
	_ =	shalt  }
.Lfunc_end2:
_tile_overlayer_lowered:
.L_overlay_start_2:
0x4f: {  	(tag) =	ssettag $0x2  }
0x50: {  	s0 =	rddreg [dreg:$0x0];
	s2 =	stileid.u32  }
0x51: {  	s1 =	rddreg [dreg:$0x1];
	p0 =	sne.s32 s2, $0x0  }
0x52: {  	s3 =	rddreg [dreg:$0x2];
	[bflag:$0x3] =	sbarrier.arrive $0xFFFF;
	s2 =	simm.s32 @!p0 $0x1C01  }
0x53: {  	[timem:s3], [sflag:s2] =	dma.local @!p0 [hbm:s0], s1  }
0x54: {  	s0 =	simm.s32 @!p0 $0x1  }
0x55: {  	_ =	swait.ge @!p0 [sflag:s0], s1  }
0x56: {  	s1 =	ssub.s32 @!p0 $0x0, s1;
	[sflag:s0] =	ssyncset.done @!p0 $0x0  }
0x57: {  	[sflag:s0] =	ssyncadd.s32 @!p0 s1  }
0x58: {  	[bflag:$0x3] =	sbarrier.arrive $0xFFFF  }
0x59: {  	_ =	shalt  }

// kernel: kernel.14.cloned.1.call-start
scs
__scs_entry_jumppad:
0x0: {  	(pc) =	sbr.rel $0x88, $3  }
0x1: {  	(tag) =	ssettag $0x0;
	lr =	simm.s32 $0x1  }
0x2: {  	[smem:$0x3F9D] =	sst lr;
	_ =	strace $0xD0000000  }
0x3: {  	_ = 	snop  }
0x4: {  	_ = 	snop  }
0x5: {  	_ = 	snop  }
0x6: {  	_ = 	snop  }
0x7: {  	_ = 	snop  }
__scs_overlays_trampoline_lowered:
0x8: {  	[smem:$0x3FAC] =	sst s0  }
0x9: {  	[smem:$0x3FAD] =	sst s1  }
0xa: {  	[smem:$0x3FAE] =	sst s2  }
0xb: {  	[smem:$0x3FAF] =	sst s3  }
0xc: {  	[smem:$0x3FB0] =	sst s4  }
0xd: {  	[smem:$0x3FB1] =	sst s5  }
0xe: {  	[smem:$0x3FB2] =	sst s6  }
0xf: {  	[smem:$0x3FB3] =	sst s7  }
0x10: {  	[smem:$0x3FB4] =	sst s8  }
0x11: {  	[smem:$0x3FB5] =	sst s9;
	s0 =	simm.s32 @!p0 $0x0  }
0x12: {  	s1 =	sld [smem:$0x3F9B];
	s0 =	simm.s32 @p0 $0x1  }
0x13: {  	[smem:$0x3FB6] =	sst s0;
	s0 =	simm.s32 @!p1 $0x0  }
0x14: {  	s2 =	sld [smem:$0x3F9A];
	s0 =	simm.s32 @p1 $0x1  }
0x15: {  	[smem:$0x3FB7] =	sst s0;
	s0 =	simm.s32 @!p2 $0x0  }
0x16: {  	s3 =	sld [smem:$0x3FDB];
	s0 =	simm.s32 @p2 $0x1  }
0x17: {  	s4 =	simm.s32 $0x1BF5;
	[smem:$0x3FB9] =	sst s0  }
0x18: {  	s0 =	sld [smem:$0x3F9C];
	_ =	swait.ge [sflag:s4], $0x0  }
0x19: {  	s7 =	sld [smem:$0x3F9D]  }
0x1a: {  	s8 =	sadd.s32 $0xFFFFE003, lr  }
0x1b: {  	s9 =	sadd.s32 $0xFFFFFEF7, lr;
	s5 =	simm.s32 $0xFFFFFFFF;
	p2 =	slt.u32 s8, $0xFFFFF086  }
0x1c: {  	p1 =	slt.u32 s9, $0xF7A;
	s5 =	simm.s32 @!p2 $0x0  }
0x1d: {  	s5 =	simm.s32 @p1 $0x1;
	p0 =	seq.s32 s7, s2  }
0x1e: {  	s7 =	smul.u32 @!p0 $0xF7A, s2;
	p2 =	seq.s32 @!p0 s5, $0x0  }
0x1f: {  	s9 =	smul.u32 $0xF7A, s1;
	s8 =	simm.s32 @!p0 $0x1BF5;
	p2 =	por !p2, p0  }
0x20: {  	[sflag:s8] =	ssyncset.s32 @!p0 $0xFFFFF086;
	s6 =	sadd.s32 @!p0 s3, s7;
	s7 =	simm.s32 @!p0 $0x108  }
0x21: {  	s3 =	sadd.s32 s3, s9;
	s6 =	sadd.s32 @!p0 $0x88, s6;
	s7 =	simm.s32 @p2 $0x1082  }
0x22: {  	[simem:s7], [sflag:s8] =	dma.local @!p0 [hbm:s6], $0xF7A  }
0x23: {  	s9 =	sor.u32 $0xD0000000, s2;
	s6 =	simm.s32 $0x108;
	_ =	swait.ge @!p0 [sflag:s8], $0x0  }
0x24: {  	s3 =	sadd.s32 $0x88, s3;
	s6 =	simm.s32 @!p1 $0x1082;
	[sflag:s4] =	ssyncset.s32 $0xFFFFF086  }
0x25: {  	[simem:s6], [sflag:s4] =	dma.local [hbm:s3], $0xF7A  }
0x26: {  	[smem:$0x3F9D] =	sst s1;
	(tag) =	ssettag s2;
	_ =	strace s9  }
0x27: {  	s1 =	sld [smem:$0x3FAD]  }
0x28: {  	s2 =	sld [smem:$0x3FAE]  }
0x29: {  	s4 =	sld [smem:$0x3FB0]  }
0x2a: {  	p0 =	seq.s32 s5, $0x0;
	s5 =	sld [smem:$0x3FB1]  }
0x2b: {  	s6 =	sld [smem:$0x3FB2]  }
0x2c: {  	s7 =	sld [smem:$0x3FB3]  }
0x2d: {  	s3 =	simm.s32 $0x108;
	s8 =	sld [smem:$0x3FB4]  }
0x2e: {  	s3 =	simm.s32 @!p0 $0x1082;
	s9 =	sld [smem:$0x3FB5]  }
0x2f: {  	lr =	sadd.s32 s0, s3;
	s0 =	sld [smem:$0x3FAC]  }
0x30: {  	s3 =	sld [smem:$0x3FAF]  }
0x31: {  	[smem:$0x3FB8] =	sst s10  }
0x32: {  	s10 =	sld [smem:$0x3FB6];
	_ =	sdelay $0x3  }
0x33: {  	p0 =	seq.s32 s10, $0x1;
	s10 =	sld [smem:$0x3FB8];
	_ =	sdelay $0x3  }
0x34: {  	[smem:$0x3FB8] =	sst s10  }
0x35: {  	s10 =	sld [smem:$0x3FB7];
	_ =	sdelay $0x3  }
0x36: {  	p1 =	seq.s32 s10, $0x1;
	s10 =	sld [smem:$0x3FB8];
	_ =	sdelay $0x3  }
0x37: {  	[smem:$0x3FB8] =	sst s10  }
0x38: {  	s10 =	sld [smem:$0x3FB9]  }
0x39: {  	_ = 	snop;
	(pc) =	sbr.ind lr, $3  }
0x3a: {  	_ = 	snop  }
0x3b: {  	_ = 	snop  }
0x3c: {  	p2 =	seq.s32 s10, $0x1;
	s10 =	sld [smem:$0x3FB8]  }
0x3d: {  	_ =	shalt  }
0x3e: {  	_ =	shalt  }
0x3f: {  	_ =	shalt  }
0x40: {  	_ =	shalt  }
0x41: {  	_ =	shalt  }
0x42: {  	_ =	shalt  }
0x43: {  	_ =	shalt  }
0x44: {  	_ =	shalt  }
0x45: {  	_ =	shalt  }
0x46: {  	_ =	shalt  }
0x47: {  	_ =	shalt  }
0x48: {  	_ =	shalt  }
0x49: {  	_ =	shalt  }
0x4a: {  	_ =	shalt  }
0x4b: {  	_ =	shalt  }
0x4c: {  	_ =	shalt  }
0x4d: {  	_ =	shalt  }
0x4e: {  	_ =	shalt  }
0x4f: {  	_ =	shalt  }
0x50: {  	_ =	shalt  }
0x51: {  	_ =	shalt  }
0x52: {  	_ =	shalt  }
0x53: {  	_ =	shalt  }
0x54: {  	_ =	shalt  }
0x55: {  	_ =	shalt  }
0x56: {  	_ =	shalt  }
0x57: {  	_ =	shalt  }
0x58: {  	_ =	shalt  }
0x59: {  	_ =	shalt  }
0x5a: {  	_ =	shalt  }
0x5b: {  	_ =	shalt  }
0x5c: {  	_ =	shalt  }
0x5d: {  	_ =	shalt  }
0x5e: {  	_ =	shalt  }
0x5f: {  	_ =	shalt  }
0x60: {  	_ =	shalt  }
0x61: {  	_ =	shalt  }
0x62: {  	_ =	shalt  }
0x63: {  	_ =	shalt  }
0x64: {  	_ =	shalt  }
0x65: {  	_ =	shalt  }
0x66: {  	_ =	shalt  }
0x67: {  	_ =	shalt  }
0x68: {  	_ =	shalt  }
0x69: {  	_ =	shalt  }
0x6a: {  	_ =	shalt  }
0x6b: {  	_ =	shalt  }
0x6c: {  	_ =	shalt  }
0x6d: {  	_ =	shalt  }
0x6e: {  	_ =	shalt  }
0x6f: {  	_ =	shalt  }
0x70: {  	_ =	shalt  }
0x71: {  	_ =	shalt  }
0x72: {  	_ =	shalt  }
0x73: {  	_ =	shalt  }
0x74: {  	_ =	shalt  }
0x75: {  	_ =	shalt  }
0x76: {  	_ =	shalt  }
0x77: {  	_ =	shalt  }
0x78: {  	_ =	shalt  }
0x79: {  	_ =	shalt  }
0x7a: {  	_ =	shalt  }
0x7b: {  	_ =	shalt  }
0x7c: {  	_ =	shalt  }
0x7d: {  	_ =	shalt  }
0x7e: {  	_ =	shalt  }
0x7f: {  	_ =	shalt  }
0x80: {  	_ =	shalt  }
0x81: {  	_ =	shalt  }
0x82: {  	_ =	shalt  }
0x83: {  	_ =	shalt  }
0x84: {  	_ =	shalt  }
0x85: {  	_ =	shalt  }
0x86: {  	_ =	shalt  }
0x87: {  	_ =	shalt  }
.Lfunc_end0:
.L_simem_size_0:
called_computation.1_lowered:
.L_overlay_start_0:
0x88: {  	s2 =	sld [smem:$0x3FD9]  }
0x89: {  	s3 =	sld [smem:$0x3FFE];
	_ =	sdelay $0x1  }
0x8a: {  	s1 =	srdreg.scid  }
0x8b: {  	s0 =	sand.u32 $0x1, s1  }
0x8c: {  	s17 =	sshll.u32 s0, $0xA;
	s2 =	sadd.s32 s3, s2  }
0x8d: {  	s2 =	sadd.s32 s2, s17  }
0x8e: {  	[smem:$0x3FC4] =	sst s2  }
0x8f: {  	_ = 	snop  }
0x90: {  	(tm) =	ssettm $0x1  }
0x91: {  	s18 =	sld [smem:$0x3FFB];
	_ =	sdelay $0x3  }
0x92: {  	_ =	strace s18  }
0x93: {  	s2 =	sld [smem:$0x3FFC];
	_ =	sdelay $0x3  }
0x94: {  	_ =	strace s2  }
0x95: {  	s2 =	sld [smem:$0x3FFD];
	_ =	sdelay $0x3  }
0x96: {  	_ =	strace s2  }
0x97: {  	_ =	strace $0x8FFFFFFF  }
0x98: {  	s19 =	sld [smem:$0x3FDB];
	_ =	sdelay $0x1  }
0x99: {  	s20 =	simm.s32 $_scs_section_size  }
0x9a: {  	s4 =	simm.s32 $_size__tile_overlayer_lowered;
	s5 =	simm.s32 $_tile_overlayer_lowered  }
0x9b: {  	s6 =	simm.s32 $0x1BFF;
	s21 =	sshll.u32 s5, $0x1;
	s3 =	sadd.s32 s20, s19  }
0x9c: {  	s22 =	simm.s32 $0x0;
	s4 =	sshll.u32 s4, $0x1;
	s5 =	sadd.s32 s21, s3  }
0x9d: {  	[timem:s22], [sflag:s6] =	dma.local [hbm:s5], s4  }
0x9e: {  	_ =	swait.ge [sflag:s6], s4  }
0x9f: {  	s4 =	ssub.s32 $0x0, s4;
	[sflag:s6] =	ssyncset.done $0x0  }
0xa0: {  	[sflag:s6] =	ssyncadd.s32 s4;
	_ =	sdelay $0x1  }
0xa1: {  	s23 =	simm.s32 $0x1B8B  }
0xa2: {  	_ =	swait.ge [sflag:s23], $0x1  }
0xa3: {  	[sflag:s23] =	ssyncset.done $0x0  }
0xa4: {  	[sflag:s23] =	ssyncadd.s32 $0xFFFFFFFF  }
0xa5: {  	s4 =	sld [smem:$0x0]  }
0xa6: {  	s5 =	sand.u32 $0xFFFFFFFE, s1  }
0xa7: {  	p0 =	sne.s32 s1, s5  }
0xa8: {  	s5 =	sshll.u32 @p0 s5, $0xE  }
0xa9: {  	s5 =	sadd.s32 @p0 $0x11B8D, s5;
	s6 =	sshll.u32 @p0 s4, $0x11  }
0xaa: {  	s5 =	sor.u32 @p0 s6, s5  }
0xab: {  	[sflag:s5] =	ssyncadd.remote.s32 @p0 $0x1;
	_ =	sdelay $0x1  }
0xac: {  	s5 =	simm.s32 @p0 $0x1B8D  }
0xad: {  	_ =	swait.eq @p0 [sflag:s5], $0x1  }
0xae: {  	[sflag:s5] =	ssyncadd.s32 @p0 $0xFFFFFFFF  }
0xaf: {  	s6 =	sshll.u32 @!p0 s1, $0xE  }
0xb0: {  	s6 =	sor.u32 @!p0 $0x4000, s6;
	s5 =	simm.s32 @!p0 $0x1B8D  }
0xb1: {  	s4 =	sshll.u32 @!p0 s4, $0x11;
	s6 =	sadd.s32 @!p0 $0x11B8D, s6;
	_ =	swait.eq @!p0 [sflag:s5], $0x1  }
0xb2: {  	s4 =	sor.u32 @!p0 s4, s6;
	[sflag:s5] =	ssyncadd.s32 @!p0 $0xFFFFFFFF  }
0xb3: {  	s25 =	simm.s32 $0x1B8E;
	s24 =	sld [smem:$0x3FFE];
	[sflag:s4] =	ssyncadd.remote.s32 @!p0 $0x1  }
0xb4: {  	s26 =	simm.s32 $execute0_lowered;
	[smem:$0x3FD2] =	sst s25  }
0xb5: {  	s5 =	sshll.u32 s26, $0x1;
	_ =	strace $0x80000049;
	[dreg:$0x1] =	wrdreg $0xFFFFFFFF  }
0xb6: {  	s28 =	simm.s32 $_size_execute0_lowered;
	s3 =	sadd.s32 s3, s5;
	[dreg:$0x0] =	wrdreg $0x0  }
0xb7: {  	s5 =	sshll.u32 s28, $0x1;
	[dreg:$0x2] =	wrdreg s3  }
0xb8: {  	[dreg:$0x3] =	wrdreg s5  }
0xb9: {  	[dreg:$0x4] =	wrdreg $0xC0  }
0xba: {  	_ =	task [dreg:s22], $0x5FFFF  }
0xbb: {  	[dreg:$0x1] =	wrdreg $0xFFFFFFFF  }
0xbc: {  	[dreg:$0x0] =	wrdreg $0x60  }
0xbd: {  	[dreg:$0x2] =	wrdreg s24  }
0xbe: {  	[dreg:$0x3] =	wrdreg $0xA  }
0xbf: {  	_ =	task.clear_ibuf [dreg:s22], $0x4FFFF;
	_ =	strace $0x90000049  }
0xc0: {  	s29 =	simm.s32 $0xA;
	_ =	strace $0x8000004B  }
0xc1: {  	_ =	swait.ge [sflag:s29], $0x1  }
0xc2: {  	[sflag:s29] =	ssyncadd.s32 $0xFFFFFFFF  }
0xc3: {  	_ =	strace $0x9000004B  }
0xc4: {  	_ =	sfence  }
0xc5: {  	s30 =	sld [smem:$0x0];
	_ =	sdelay $0x2  }
0xc6: {  	s31 =	sshll.u32 s1, $0xD;
	s1 =	sshrl.u32 s1, $0x2  }
0xc7: {  	s4 =	sand.u32 $0x4000, s31;
	s1 =	sadd.s32 s1, s30  }
0xc8: {  	s0 =	sor.u32 s4, s0;
	s1 =	sshll.u32 s1, $0x11  }
0xc9: {  	s0 =	sor.u32 s1, s0  }
0xca: {  	s0 =	sadd.s32 $0x8F2B, s0  }
0xcb: {  	[sflag:s0] =	ssyncadd.remote.s32 $0x1  }
0xcc: {  	_ =	sfence.sel $0xFFFF  }
0xcd: {  	[dreg:$0x0] =	wrdreg $0xFFFFFFFF;
	(pc) =	sbr.abs _section_cstart, $3  }
0xce: {  	[dreg:$0x1] =	wrdreg $0xFFFFFFFF  }
0xcf: {  	_ =	task.clear_ibuf [dreg:s22], $0x2FFFF;
	_ =	strace $0x9FFFFFFF  }
0xd0: {  	(tm) =	ssettm $0x7FFFFFFF  }
0xd1: {  	_ =	shalt  }
tec
execute0_lowered:
.L_overlay_start_1:
0x0: {  	(tag) =	ssettag $0x1  }
0x1: {  	s1 =	srdreg.scid  }
0x2: {  	s0 =	stileid.u32;
	s5 =	rddreg [dreg:$0x0]  }
0x3: {  	s2 =	simm.s32 $0x0;
	s11 =	simm.s32 $0x9000;
	s12 =	simm.s32 $0x0  }
0x4: {  	s3 =	sand.u32 $0x1, s1;
	s28 =	sshll.u32 s0, $0x1;
	s1 =	rddreg [dreg:$0x1]  }
0x5: {  	s29 =	sshrl.u32 s0, $0x1;
	[smem:$0x7FF] =	sst s2;
	s4 =	sor.u32 s3, s28  }
0x6: {  	s9 =	sshll.u32 s0, $0xB;
	s7 =	smul.u32 $0x1C000, s29;
	s6 =	sand.u32 $0x3, s4  }
0x7: {  	s3 =	ssub.s32 $0x2, s3;
	s4 =	sshll.u32 s4, $0x4;
	s8 =	smul.u32 $0x7000, s6  }
0x8: {  	_ =	strace $0x8000004A;
	s30 =	sshrl.u32 s3, $0x1;
	s4 =	sor.u32 s9, s4  }
0x9: {  	s31 =	ssub.s32 s3, s30;
	s10 =	smul.u32 $0xFFFFFFE7, s6;
	s7 =	sadd.s32 s7, s8  }
0xa: {  	s9 =	simm.s32 $0x400;
	s4 =	sand.u32 $0x6070, s4;
	s7 =	sshrl.u32 s7, $0x3  }
0xb: {  	s6 =	smax.u32 s31, $0x1;
	s8 =	simm.s32 $0x80;
	s7 =	sadd.s32 s7, s5  }
0xc: {  	v0 =	vmov s10;
	s10 =	simm.s32 $0x7000;
	s5 =	sadd.s32 s4, s5;
	s3 =	sadd.s32 $0x46200, s7  }
0xd: {  	s4 =	sadd.s32 $0x26200, s5;
	s5 =	sadd.s32 $0x62200, s5;
	s7 =	simm.s32 $0x1  }
.LBB2_1:
0xe: {  	[tilespmem:s2], [sflag:$0x1] =	stream.linear.gather [hbm4b:s3+s2], $0x7000, $0x38;
	[tilespmem:$0xB000] =	vst v63  }
0xf: {  	_ =	swait.ge [sflag:s7], $0x7000  }
0x10: {  	[sflag:s7] =	ssyncset.done $0x0  }
0x11: {  	[sflag:s7] =	ssyncadd.s32 $0xFFFF9000  }
0x12: {  	[tilespmem:s10], [sflag:$0x1] =	stream.strided.gather [hbm4b:s4+s8], $0x2000, s9, s8, $0x38;
	[tilespmem:$0xB000] =	vst v63  }
0x13: {  	_ =	swait.ge [sflag:s7], $0x2000  }
0x14: {  	[sflag:s7] =	ssyncset.done $0x0  }
0x15: {  	s14 =	simm.s32 $0x0;
	[sflag:s7] =	ssyncadd.s32 $0xFFFFE000  }
0x16: {  	v2 =	vld [tilespmem:s14+$0x7000];
	_ =	sdelay $0x4  }
0x17: {  	v1 =	vshra.s32 v2, $0xF  }
0x18: {  	v3 =	vadd.s32 v0, v1  }
0x19: {  	v4 =	vshrl.u32 v3, $0x3  }
0x1a: {  	v5 =	vshrl.u32 v2, $0x2;
	v4 =	vmul.u32 $0x1C00, v4  }
0x1b: {  	s13 =	simm.s32 $0x10;
	v5 =	vand.u32 $0x1C00, v5;
	v3 =	vshll.u32 v3, $0x7  }
0x1c: {  	v6 =	vshrl.u32 v2, $0x5;
	v1 =	vld [tilespmem:s13+$0x7000];
	v3 =	vand.u32 $0x380, v3;
	v4 =	vadd.s32 v5, v4  }
0x1d: {  	v5 =	vand.u32 $0x7F, v6;
	v3 =	vor.u32 v3, v4  }
0x1e: {  	v3 =	vor.u32 v5, v3;
	_ =	sdelay $0x2  }
0x1f: {  	v4 =	vshra.s32 v1, $0xF  }
0x20: {  	v4 =	vadd.s32 v0, v4  }
0x21: {  	v5 =	vshrl.u32 v4, $0x3;
	v3 =	vld.idx.msk [tilespmem:v3+s2+$0x0], $0xffff  }
0x22: {  	v6 =	vshrl.u32 v1, $0x2;
	v5 =	vmul.u32 $0x1C00, v5  }
0x23: {  	v6 =	vand.u32 $0x1C00, v6;
	v7 =	vshll.u32 v4, $0x7  }
0x24: {  	s15 =	simm.s32 $0x20;
	s16 =	simm.s32 $0xC0;
	v4 =	vshrl.u32 v1, $0x5;
	v5 =	vadd.s32 v6, v5;
	v6 =	vand.u32 $0x380, v7  }
.LBB2_2:
0x25: {  	p0 =	sne.s32 s16, $0x7FC0;
	v4 =	vand.u32 $0x7F, v4;
	v5 =	vor.u32 v6, v5;
	v6 =	vand.u32 $0x1F, v2;
	v2 =	vmovc v1;
	v1 =	vld [tilespmem:s15+$0x7000]  }
0x26: {  	v4 =	vor.u32 v4, v5;
	v3 =	vshrl.u32 v3, v6  }
0x27: {  	v3 =	vand.u32 $0x1, v3  }
0x28: {  	v3 =	vcvt.s32.f32 v3;
	_ =	sdelay $0x1  }
0x29: {  	v5 =	vshra.s32 v1, $0xF;
	[tilespmem:s14+$0x9000] =	vst v3;
	s14 =	smov.u32 s13;
	s13 =	smov.u32 s15  }
.Ltmp0:
0x2a: {  	v5 =	vadd.s32 v0, v5;
	v3 =	vld.idx.msk [tilespmem:v4+s2+$0x0], $0xffff;
	(pc) =	sbr.rel @p0 .LBB2_2-.Ltmp0, $4  }
0x2b: {  	v4 =	vshrl.u32 v5, $0x3  }
0x2c: {  	v6 =	vmul.u32 $0x1C00, v4;
	v4 =	vshrl.u32 v1, $0x2  }
0x2d: {  	v8 =	vshll.u32 v5, $0x7;
	v7 =	vand.u32 $0x1C00, v4  }
0x2e: {  	s15 =	sshra.s32 s16, $0x2;
	s16 =	sadd.s32 $0x40, s16;
	v4 =	vshrl.u32 v1, $0x5;
	v5 =	vadd.s32 v7, v6;
	v6 =	vand.u32 $0x380, v8  }
0x2f: {  	v7 =	vld [tilespmem:s15+$0x7000]  }
0x30: {  	v4 =	vand.u32 $0x7F, v4;
	v5 =	vor.u32 v6, v5;
	v2 =	vand.u32 $0x1F, v2  }
0x31: {  	v4 =	vor.u32 v4, v5;
	v2 =	vshrl.u32 v3, v2  }
0x32: {  	v2 =	vand.u32 $0x1, v2  }
0x33: {  	v2 =	vcvt.s32.f32 v2  }
0x34: {  	v3 =	vshra.s32 v7, $0xF  }
0x35: {  	[tilespmem:s14+$0x9000] =	vst v2;
	v2 =	vadd.s32 v0, v3  }
0x36: {  	v3 =	vld.idx.msk [tilespmem:v4+s2+$0x0], $0xffff;
	v60 =	vshrl.u32 v2, $0x3  }
0x37: {  	v61 =	vshrl.u32 v7, $0x2;
	v4 =	vmul.u32 $0x1C00, v60  }
0x38: {  	v5 =	vand.u32 $0x1C00, v61;
	v2 =	vshll.u32 v2, $0x7  }
0x39: {  	v62 =	vshrl.u32 v7, $0x5;
	v2 =	vand.u32 $0x380, v2;
	v4 =	vadd.s32 v5, v4  }
0x3a: {  	v1 =	vand.u32 $0x1F, v1;
	v63 =	vand.u32 $0x7F, v62;
	v2 =	vor.u32 v2, v4  }
0x3b: {  	v1 =	vshrl.u32 v3, v1;
	v2 =	vor.u32 v63, v2  }
0x3c: {  	v1 =	vand.u32 $0x1, v1  }
0x3d: {  	v1 =	vcvt.s32.f32 v1;
	_ =	sdelay $0x1  }
0x3e: {  	[tilespmem:s13+$0x9000] =	vst v1  }
0x3f: {  	v1 =	vld.idx.msk [tilespmem:v2+s2+$0x0], $0xffff;
	_ =	sdelay $0x3  }
0x40: {  	v2 =	vand.u32 $0x1F, v7  }
0x41: {  	v1 =	vshrl.u32 v1, v2  }
0x42: {  	v1 =	vand.u32 $0x1, v1  }
0x43: {  	s12 =	sadd.s32 $0x1, s12;
	v1 =	vcvt.s32.f32 v1  }
0x44: {  	p0 =	sne.s32 s12, s6  }
.Ltmp1:
0x45: {  	[tilespmem:s15+$0x9000] =	vst v1;
	(pc) =	sbr.rel @p0 .LBB2_1-.Ltmp1, $4  }
0x46: {  	[hbm4b:s5+s8] =	stream.strided.scatter [tilespmem:s11], [sflag:$0x1], $0x2000, s9, s8, $0x38;
	[tilespmem:$0xB000] =	vst v63  }
0x47: {  	_ =	swait.ge [sflag:s7], $0x2000  }
0x48: {  	[sflag:s7] =	ssyncset.done $0x0  }
0x49: {  	[sflag:s7] =	ssyncadd.s32 $0xFFFFE000  }
0x4a: {  	_ =	sfence.sel $0x180000  }
0x4b: {  	[bflag:$0x0] =	sbarrier.arrive $0xFFFF  }
0x4c: {  	p0 =	sne.s32 s0, $0x0;
	_ =	strace $0x9000004A  }
0x4d: {  	s0 =	sadd.s32 @!p0 $0x100000, s1;
	[bflag:$0x2] =	sbarrier.arrive $0xFFFF  }
0x4e: {  	[sflag:s0] =	ssyncadd.tile.s32 @!p0 $0x1;
	_ =	shalt  }
.Lfunc_end2:
_tile_overlayer_lowered:
.L_overlay_start_2:
0x4f: {  	(tag) =	ssettag $0x2  }
0x50: {  	s0 =	rddreg [dreg:$0x0];
	s2 =	stileid.u32  }
0x51: {  	s1 =	rddreg [dreg:$0x1];
	p0 =	sne.s32 s2, $0x0  }
0x52: {  	s3 =	rddreg [dreg:$0x2];
	[bflag:$0x3] =	sbarrier.arrive $0xFFFF;
	s2 =	simm.s32 @!p0 $0x1C01  }
0x53: {  	[timem:s3], [sflag:s2] =	dma.local @!p0 [hbm:s0], s1  }
0x54: {  	s0 =	simm.s32 @!p0 $0x1  }
0x55: {  	_ =	swait.ge @!p0 [sflag:s0], s1  }
0x56: {  	s1 =	ssub.s32 @!p0 $0x0, s1;
	[sflag:s0] =	ssyncset.done @!p0 $0x0  }
0x57: {  	[sflag:s0] =	ssyncadd.s32 @!p0 s1  }
0x58: {  	[bflag:$0x3] =	sbarrier.arrive $0xFFFF  }
0x59: {  	_ =	shalt  }

// kernel: kernel.17.cloned.1.call-start
scs
__scs_entry_jumppad:
0x0: {  	(pc) =	sbr.rel $0x88, $3  }
0x1: {  	(tag) =	ssettag $0x0;
	lr =	simm.s32 $0x1  }
0x2: {  	[smem:$0x3F9D] =	sst lr;
	_ =	strace $0xD0000000  }
0x3: {  	_ = 	snop  }
0x4: {  	_ = 	snop  }
0x5: {  	_ = 	snop  }
0x6: {  	_ = 	snop  }
0x7: {  	_ = 	snop  }
__scs_overlays_trampoline_lowered:
0x8: {  	[smem:$0x3FAC] =	sst s0  }
0x9: {  	[smem:$0x3FAD] =	sst s1  }
0xa: {  	[smem:$0x3FAE] =	sst s2  }
0xb: {  	[smem:$0x3FAF] =	sst s3  }
0xc: {  	[smem:$0x3FB0] =	sst s4  }
0xd: {  	[smem:$0x3FB1] =	sst s5  }
0xe: {  	[smem:$0x3FB2] =	sst s6  }
0xf: {  	[smem:$0x3FB3] =	sst s7  }
0x10: {  	[smem:$0x3FB4] =	sst s8  }
0x11: {  	[smem:$0x3FB5] =	sst s9;
	s0 =	simm.s32 @!p0 $0x0  }
0x12: {  	s1 =	sld [smem:$0x3F9B];
	s0 =	simm.s32 @p0 $0x1  }
0x13: {  	[smem:$0x3FB6] =	sst s0;
	s0 =	simm.s32 @!p1 $0x0  }
0x14: {  	s2 =	sld [smem:$0x3F9A];
	s0 =	simm.s32 @p1 $0x1  }
0x15: {  	[smem:$0x3FB7] =	sst s0;
	s0 =	simm.s32 @!p2 $0x0  }
0x16: {  	s3 =	sld [smem:$0x3FDB];
	s0 =	simm.s32 @p2 $0x1  }
0x17: {  	s4 =	simm.s32 $0x1BF5;
	[smem:$0x3FB9] =	sst s0  }
0x18: {  	s0 =	sld [smem:$0x3F9C];
	_ =	swait.ge [sflag:s4], $0x0  }
0x19: {  	s7 =	sld [smem:$0x3F9D]  }
0x1a: {  	s8 =	sadd.s32 $0xFFFFE003, lr  }
0x1b: {  	s9 =	sadd.s32 $0xFFFFFEF7, lr;
	s5 =	simm.s32 $0xFFFFFFFF;
	p2 =	slt.u32 s8, $0xFFFFF086  }
0x1c: {  	p1 =	slt.u32 s9, $0xF7A;
	s5 =	simm.s32 @!p2 $0x0  }
0x1d: {  	s5 =	simm.s32 @p1 $0x1;
	p0 =	seq.s32 s7, s2  }
0x1e: {  	s7 =	smul.u32 @!p0 $0xF7A, s2;
	p2 =	seq.s32 @!p0 s5, $0x0  }
0x1f: {  	s9 =	smul.u32 $0xF7A, s1;
	s8 =	simm.s32 @!p0 $0x1BF5;
	p2 =	por !p2, p0  }
0x20: {  	[sflag:s8] =	ssyncset.s32 @!p0 $0xFFFFF086;
	s6 =	sadd.s32 @!p0 s3, s7;
	s7 =	simm.s32 @!p0 $0x108  }
0x21: {  	s3 =	sadd.s32 s3, s9;
	s6 =	sadd.s32 @!p0 $0x88, s6;
	s7 =	simm.s32 @p2 $0x1082  }
0x22: {  	[simem:s7], [sflag:s8] =	dma.local @!p0 [hbm:s6], $0xF7A  }
0x23: {  	s9 =	sor.u32 $0xD0000000, s2;
	s6 =	simm.s32 $0x108;
	_ =	swait.ge @!p0 [sflag:s8], $0x0  }
0x24: {  	s3 =	sadd.s32 $0x88, s3;
	s6 =	simm.s32 @!p1 $0x1082;
	[sflag:s4] =	ssyncset.s32 $0xFFFFF086  }
0x25: {  	[simem:s6], [sflag:s4] =	dma.local [hbm:s3], $0xF7A  }
0x26: {  	[smem:$0x3F9D] =	sst s1;
	(tag) =	ssettag s2;
	_ =	strace s9  }
0x27: {  	s1 =	sld [smem:$0x3FAD]  }
0x28: {  	s2 =	sld [smem:$0x3FAE]  }
0x29: {  	s4 =	sld [smem:$0x3FB0]  }
0x2a: {  	p0 =	seq.s32 s5, $0x0;
	s5 =	sld [smem:$0x3FB1]  }
0x2b: {  	s6 =	sld [smem:$0x3FB2]  }
0x2c: {  	s7 =	sld [smem:$0x3FB3]  }
0x2d: {  	s3 =	simm.s32 $0x108;
	s8 =	sld [smem:$0x3FB4]  }
0x2e: {  	s3 =	simm.s32 @!p0 $0x1082;
	s9 =	sld [smem:$0x3FB5]  }
0x2f: {  	lr =	sadd.s32 s0, s3;
	s0 =	sld [smem:$0x3FAC]  }
0x30: {  	s3 =	sld [smem:$0x3FAF]  }
0x31: {  	[smem:$0x3FB8] =	sst s10  }
0x32: {  	s10 =	sld [smem:$0x3FB6];
	_ =	sdelay $0x3  }
0x33: {  	p0 =	seq.s32 s10, $0x1;
	s10 =	sld [smem:$0x3FB8];
	_ =	sdelay $0x3  }
0x34: {  	[smem:$0x3FB8] =	sst s10  }
0x35: {  	s10 =	sld [smem:$0x3FB7];
	_ =	sdelay $0x3  }
0x36: {  	p1 =	seq.s32 s10, $0x1;
	s10 =	sld [smem:$0x3FB8];
	_ =	sdelay $0x3  }
0x37: {  	[smem:$0x3FB8] =	sst s10  }
0x38: {  	s10 =	sld [smem:$0x3FB9]  }
0x39: {  	_ = 	snop;
	(pc) =	sbr.ind lr, $3  }
0x3a: {  	_ = 	snop  }
0x3b: {  	_ = 	snop  }
0x3c: {  	p2 =	seq.s32 s10, $0x1;
	s10 =	sld [smem:$0x3FB8]  }
0x3d: {  	_ =	shalt  }
0x3e: {  	_ =	shalt  }
0x3f: {  	_ =	shalt  }
0x40: {  	_ =	shalt  }
0x41: {  	_ =	shalt  }
0x42: {  	_ =	shalt  }
0x43: {  	_ =	shalt  }
0x44: {  	_ =	shalt  }
0x45: {  	_ =	shalt  }
0x46: {  	_ =	shalt  }
0x47: {  	_ =	shalt  }
0x48: {  	_ =	shalt  }
0x49: {  	_ =	shalt  }
0x4a: {  	_ =	shalt  }
0x4b: {  	_ =	shalt  }
0x4c: {  	_ =	shalt  }
0x4d: {  	_ =	shalt  }
0x4e: {  	_ =	shalt  }
0x4f: {  	_ =	shalt  }
0x50: {  	_ =	shalt  }
0x51: {  	_ =	shalt  }
0x52: {  	_ =	shalt  }
0x53: {  	_ =	shalt  }
0x54: {  	_ =	shalt  }
0x55: {  	_ =	shalt  }
0x56: {  	_ =	shalt  }
0x57: {  	_ =	shalt  }
0x58: {  	_ =	shalt  }
0x59: {  	_ =	shalt  }
0x5a: {  	_ =	shalt  }
0x5b: {  	_ =	shalt  }
0x5c: {  	_ =	shalt  }
0x5d: {  	_ =	shalt  }
0x5e: {  	_ =	shalt  }
0x5f: {  	_ =	shalt  }
0x60: {  	_ =	shalt  }
0x61: {  	_ =	shalt  }
0x62: {  	_ =	shalt  }
0x63: {  	_ =	shalt  }
0x64: {  	_ =	shalt  }
0x65: {  	_ =	shalt  }
0x66: {  	_ =	shalt  }
0x67: {  	_ =	shalt  }
0x68: {  	_ =	shalt  }
0x69: {  	_ =	shalt  }
0x6a: {  	_ =	shalt  }
0x6b: {  	_ =	shalt  }
0x6c: {  	_ =	shalt  }
0x6d: {  	_ =	shalt  }
0x6e: {  	_ =	shalt  }
0x6f: {  	_ =	shalt  }
0x70: {  	_ =	shalt  }
0x71: {  	_ =	shalt  }
0x72: {  	_ =	shalt  }
0x73: {  	_ =	shalt  }
0x74: {  	_ =	shalt  }
0x75: {  	_ =	shalt  }
0x76: {  	_ =	shalt  }
0x77: {  	_ =	shalt  }
0x78: {  	_ =	shalt  }
0x79: {  	_ =	shalt  }
0x7a: {  	_ =	shalt  }
0x7b: {  	_ =	shalt  }
0x7c: {  	_ =	shalt  }
0x7d: {  	_ =	shalt  }
0x7e: {  	_ =	shalt  }
0x7f: {  	_ =	shalt  }
0x80: {  	_ =	shalt  }
0x81: {  	_ =	shalt  }
0x82: {  	_ =	shalt  }
0x83: {  	_ =	shalt  }
0x84: {  	_ =	shalt  }
0x85: {  	_ =	shalt  }
0x86: {  	_ =	shalt  }
0x87: {  	_ =	shalt  }
.Lfunc_end0:
.L_simem_size_0:
called_computation.2_lowered:
.L_overlay_start_0:
0x88: {  	s2 =	sld [smem:$0x3FD9]  }
0x89: {  	s3 =	sld [smem:$0x3FFE];
	_ =	sdelay $0x1  }
0x8a: {  	s1 =	srdreg.scid  }
0x8b: {  	s0 =	sand.u32 $0x1, s1  }
0x8c: {  	s17 =	sshll.u32 s0, $0xA;
	s2 =	sadd.s32 s3, s2  }
0x8d: {  	s2 =	sadd.s32 s2, s17  }
0x8e: {  	[smem:$0x3FC4] =	sst s2  }
0x8f: {  	_ = 	snop  }
0x90: {  	(tm) =	ssettm $0x1  }
0x91: {  	s18 =	sld [smem:$0x3FFB];
	_ =	sdelay $0x3  }
0x92: {  	_ =	strace s18  }
0x93: {  	s2 =	sld [smem:$0x3FFC];
	_ =	sdelay $0x3  }
0x94: {  	_ =	strace s2  }
0x95: {  	s2 =	sld [smem:$0x3FFD];
	_ =	sdelay $0x3  }
0x96: {  	_ =	strace s2  }
0x97: {  	_ =	strace $0x8FFFFFFF  }
0x98: {  	s19 =	sld [smem:$0x3FDB];
	_ =	sdelay $0x1  }
0x99: {  	s20 =	simm.s32 $_scs_section_size  }
0x9a: {  	s4 =	simm.s32 $_size__tile_overlayer_lowered;
	s5 =	simm.s32 $_tile_overlayer_lowered  }
0x9b: {  	s6 =	simm.s32 $0x1BFF;
	s21 =	sshll.u32 s5, $0x1;
	s3 =	sadd.s32 s20, s19  }
0x9c: {  	s22 =	simm.s32 $0x0;
	s4 =	sshll.u32 s4, $0x1;
	s5 =	sadd.s32 s21, s3  }
0x9d: {  	[timem:s22], [sflag:s6] =	dma.local [hbm:s5], s4  }
0x9e: {  	_ =	swait.ge [sflag:s6], s4  }
0x9f: {  	s4 =	ssub.s32 $0x0, s4;
	[sflag:s6] =	ssyncset.done $0x0  }
0xa0: {  	[sflag:s6] =	ssyncadd.s32 s4;
	_ =	sdelay $0x1  }
0xa1: {  	s23 =	simm.s32 $0x1B8B  }
0xa2: {  	_ =	swait.ge [sflag:s23], $0x1  }
0xa3: {  	[sflag:s23] =	ssyncset.done $0x0  }
0xa4: {  	[sflag:s23] =	ssyncadd.s32 $0xFFFFFFFF  }
0xa5: {  	s4 =	sld [smem:$0x0]  }
0xa6: {  	s5 =	sand.u32 $0xFFFFFFFE, s1  }
0xa7: {  	p0 =	sne.s32 s1, s5  }
0xa8: {  	s5 =	sshll.u32 @p0 s5, $0xE  }
0xa9: {  	s5 =	sadd.s32 @p0 $0x11B8D, s5;
	s6 =	sshll.u32 @p0 s4, $0x11  }
0xaa: {  	s5 =	sor.u32 @p0 s6, s5  }
0xab: {  	[sflag:s5] =	ssyncadd.remote.s32 @p0 $0x1;
	_ =	sdelay $0x1  }
0xac: {  	s5 =	simm.s32 @p0 $0x1B8D  }
0xad: {  	_ =	swait.eq @p0 [sflag:s5], $0x1  }
0xae: {  	[sflag:s5] =	ssyncadd.s32 @p0 $0xFFFFFFFF  }
0xaf: {  	s6 =	sshll.u32 @!p0 s1, $0xE  }
0xb0: {  	s6 =	sor.u32 @!p0 $0x4000, s6;
	s5 =	simm.s32 @!p0 $0x1B8D  }
0xb1: {  	s4 =	sshll.u32 @!p0 s4, $0x11;
	s6 =	sadd.s32 @!p0 $0x11B8D, s6;
	_ =	swait.eq @!p0 [sflag:s5], $0x1  }
0xb2: {  	s4 =	sor.u32 @!p0 s4, s6;
	[sflag:s5] =	ssyncadd.s32 @!p0 $0xFFFFFFFF  }
0xb3: {  	s25 =	simm.s32 $0x1B8E;
	s24 =	sld [smem:$0x3FFE];
	[sflag:s4] =	ssyncadd.remote.s32 @!p0 $0x1  }
0xb4: {  	s26 =	simm.s32 $execute0_lowered;
	[smem:$0x3FD2] =	sst s25  }
0xb5: {  	s5 =	sshll.u32 s26, $0x1;
	_ =	strace $0x8000004C;
	[dreg:$0x1] =	wrdreg $0xFFFFFFFF  }
0xb6: {  	s28 =	simm.s32 $_size_execute0_lowered;
	s3 =	sadd.s32 s3, s5;
	[dreg:$0x0] =	wrdreg $0x0  }
0xb7: {  	s5 =	sshll.u32 s28, $0x1;
	[dreg:$0x2] =	wrdreg s3  }
0xb8: {  	[dreg:$0x3] =	wrdreg s5  }
0xb9: {  	[dreg:$0x4] =	wrdreg $0xC0  }
0xba: {  	_ =	task [dreg:s22], $0x5FFFF  }
0xbb: {  	[dreg:$0x1] =	wrdreg $0xFFFFFFFF  }
0xbc: {  	[dreg:$0x0] =	wrdreg $0x60  }
0xbd: {  	[dreg:$0x2] =	wrdreg s24  }
0xbe: {  	[dreg:$0x3] =	wrdreg $0xB  }
0xbf: {  	_ =	task.clear_ibuf [dreg:s22], $0x4FFFF;
	_ =	strace $0x9000004C  }
0xc0: {  	s29 =	simm.s32 $0xB;
	_ =	strace $0x8000004E  }
0xc1: {  	_ =	swait.ge [sflag:s29], $0x1  }
0xc2: {  	[sflag:s29] =	ssyncadd.s32 $0xFFFFFFFF  }
0xc3: {  	_ =	strace $0x9000004E  }
0xc4: {  	_ =	sfence  }
0xc5: {  	s30 =	sld [smem:$0x0];
	_ =	sdelay $0x2  }
0xc6: {  	s31 =	sshll.u32 s1, $0xD;
	s1 =	sshrl.u32 s1, $0x2  }
0xc7: {  	s4 =	sand.u32 $0x4000, s31;
	s1 =	sadd.s32 s1, s30  }
0xc8: {  	s0 =	sor.u32 s4, s0;
	s1 =	sshll.u32 s1, $0x11  }
0xc9: {  	s0 =	sor.u32 s1, s0  }
0xca: {  	s0 =	sadd.s32 $0x8F2B, s0  }
0xcb: {  	[sflag:s0] =	ssyncadd.remote.s32 $0x1  }
0xcc: {  	_ =	sfence.sel $0xFFFF  }
0xcd: {  	[dreg:$0x0] =	wrdreg $0xFFFFFFFF;
	(pc) =	sbr.abs _section_cstart, $3  }
0xce: {  	[dreg:$0x1] =	wrdreg $0xFFFFFFFF  }
0xcf: {  	_ =	task.clear_ibuf [dreg:s22], $0x2FFFF;
	_ =	strace $0x9FFFFFFF  }
0xd0: {  	(tm) =	ssettm $0x7FFFFFFF  }
0xd1: {  	_ =	shalt  }
tec
execute0_lowered:
.L_overlay_start_1:
0x0: {  	(tag) =	ssettag $0x1  }
0x1: {  	s1 =	srdreg.scid  }
0x2: {  	s0 =	stileid.u32;
	s5 =	rddreg [dreg:$0x0]  }
0x3: {  	s2 =	simm.s32 $0x0;
	s11 =	simm.s32 $0x9000;
	s12 =	simm.s32 $0x0  }
0x4: {  	s3 =	sand.u32 $0x1, s1;
	s28 =	sshll.u32 s0, $0x1;
	s1 =	rddreg [dreg:$0x1]  }
0x5: {  	s29 =	sshrl.u32 s0, $0x1;
	[smem:$0x7FF] =	sst s2;
	s4 =	sor.u32 s3, s28  }
0x6: {  	s9 =	sshll.u32 s0, $0xB;
	s7 =	smul.u32 $0x1C000, s29;
	s6 =	sand.u32 $0x3, s4  }
0x7: {  	s3 =	ssub.s32 $0x2, s3;
	s4 =	sshll.u32 s4, $0x4;
	s8 =	smul.u32 $0x7000, s6  }
0x8: {  	_ =	strace $0x8000004D;
	s30 =	sshrl.u32 s3, $0x1;
	s4 =	sor.u32 s9, s4  }
0x9: {  	s31 =	ssub.s32 s3, s30;
	s10 =	smul.u32 $0xFFFFFFE7, s6;
	s7 =	sadd.s32 s7, s8  }
0xa: {  	s9 =	simm.s32 $0x400;
	s4 =	sand.u32 $0x6070, s4;
	s7 =	sshrl.u32 s7, $0x3  }
0xb: {  	s6 =	smax.u32 s31, $0x1;
	s8 =	simm.s32 $0x80;
	s7 =	sadd.s32 s7, s5  }
0xc: {  	v0 =	vmov s10;
	s10 =	simm.s32 $0x7000;
	s5 =	sadd.s32 s4, s5;
	s3 =	sadd.s32 $0x6A200, s7  }
0xd: {  	s4 =	sadd.s32 $0x2E200, s5;
	s5 =	sadd.s32 $0x86200, s5;
	s7 =	simm.s32 $0x1  }
.LBB2_1:
0xe: {  	[tilespmem:s2], [sflag:$0x1] =	stream.linear.gather [hbm4b:s3+s2], $0x7000, $0x38;
	[tilespmem:$0xB000] =	vst v63  }
0xf: {  	_ =	swait.ge [sflag:s7], $0x7000  }
0x10: {  	[sflag:s7] =	ssyncset.done $0x0  }
0x11: {  	[sflag:s7] =	ssyncadd.s32 $0xFFFF9000  }
0x12: {  	[tilespmem:s10], [sflag:$0x1] =	stream.strided.gather [hbm4b:s4+s8], $0x2000, s9, s8, $0x38;
	[tilespmem:$0xB000] =	vst v63  }
0x13: {  	_ =	swait.ge [sflag:s7], $0x2000  }
0x14: {  	[sflag:s7] =	ssyncset.done $0x0  }
0x15: {  	s14 =	simm.s32 $0x0;
	[sflag:s7] =	ssyncadd.s32 $0xFFFFE000  }
0x16: {  	v2 =	vld [tilespmem:s14+$0x7000];
	_ =	sdelay $0x4  }
0x17: {  	v1 =	vshra.s32 v2, $0xF  }
0x18: {  	v3 =	vadd.s32 v0, v1  }
0x19: {  	v4 =	vshrl.u32 v3, $0x3  }
0x1a: {  	v5 =	vshrl.u32 v2, $0x2;
	v4 =	vmul.u32 $0x1C00, v4  }
0x1b: {  	s13 =	simm.s32 $0x10;
	v5 =	vand.u32 $0x1C00, v5;
	v3 =	vshll.u32 v3, $0x7  }
0x1c: {  	v6 =	vshrl.u32 v2, $0x5;
	v1 =	vld [tilespmem:s13+$0x7000];
	v3 =	vand.u32 $0x380, v3;
	v4 =	vadd.s32 v5, v4  }
0x1d: {  	v5 =	vand.u32 $0x7F, v6;
	v3 =	vor.u32 v3, v4  }
0x1e: {  	v3 =	vor.u32 v5, v3;
	_ =	sdelay $0x2  }
0x1f: {  	v4 =	vshra.s32 v1, $0xF  }
0x20: {  	v4 =	vadd.s32 v0, v4  }
0x21: {  	v5 =	vshrl.u32 v4, $0x3;
	v3 =	vld.idx.msk [tilespmem:v3+s2+$0x0], $0xffff  }
0x22: {  	v6 =	vshrl.u32 v1, $0x2;
	v5 =	vmul.u32 $0x1C00, v5  }
0x23: {  	v6 =	vand.u32 $0x1C00, v6;
	v7 =	vshll.u32 v4, $0x7  }
0x24: {  	s15 =	simm.s32 $0x20;
	s16 =	simm.s32 $0xC0;
	v4 =	vshrl.u32 v1, $0x5;
	v5 =	vadd.s32 v6, v5;
	v6 =	vand.u32 $0x380, v7  }
.LBB2_2:
0x25: {  	p0 =	sne.s32 s16, $0x7FC0;
	v4 =	vand.u32 $0x7F, v4;
	v5 =	vor.u32 v6, v5;
	v6 =	vand.u32 $0x1F, v2;
	v2 =	vmovc v1;
	v1 =	vld [tilespmem:s15+$0x7000]  }
0x26: {  	v4 =	vor.u32 v4, v5;
	v3 =	vshrl.u32 v3, v6  }
0x27: {  	v3 =	vand.u32 $0x1, v3  }
0x28: {  	v3 =	vcvt.s32.f32 v3;
	_ =	sdelay $0x1  }
0x29: {  	v5 =	vshra.s32 v1, $0xF;
	[tilespmem:s14+$0x9000] =	vst v3;
	s14 =	smov.u32 s13;
	s13 =	smov.u32 s15  }
.Ltmp0:
0x2a: {  	v5 =	vadd.s32 v0, v5;
	v3 =	vld.idx.msk [tilespmem:v4+s2+$0x0], $0xffff;
	(pc) =	sbr.rel @p0 .LBB2_2-.Ltmp0, $4  }
0x2b: {  	v4 =	vshrl.u32 v5, $0x3  }
0x2c: {  	v6 =	vmul.u32 $0x1C00, v4;
	v4 =	vshrl.u32 v1, $0x2  }
0x2d: {  	v8 =	vshll.u32 v5, $0x7;
	v7 =	vand.u32 $0x1C00, v4  }
0x2e: {  	s15 =	sshra.s32 s16, $0x2;
	s16 =	sadd.s32 $0x40, s16;
	v4 =	vshrl.u32 v1, $0x5;
	v5 =	vadd.s32 v7, v6;
	v6 =	vand.u32 $0x380, v8  }
0x2f: {  	v7 =	vld [tilespmem:s15+$0x7000]  }
0x30: {  	v4 =	vand.u32 $0x7F, v4;
	v5 =	vor.u32 v6, v5;
	v2 =	vand.u32 $0x1F, v2  }
0x31: {  	v4 =	vor.u32 v4, v5;
	v2 =	vshrl.u32 v3, v2  }
0x32: {  	v2 =	vand.u32 $0x1, v2  }
0x33: {  	v2 =	vcvt.s32.f32 v2  }
0x34: {  	v3 =	vshra.s32 v7, $0xF  }
0x35: {  	[tilespmem:s14+$0x9000] =	vst v2;
	v2 =	vadd.s32 v0, v3  }
0x36: {  	v3 =	vld.idx.msk [tilespmem:v4+s2+$0x0], $0xffff;
	v60 =	vshrl.u32 v2, $0x3  }
0x37: {  	v61 =	vshrl.u32 v7, $0x2;
	v4 =	vmul.u32 $0x1C00, v60  }
0x38: {  	v5 =	vand.u32 $0x1C00, v61;
	v2 =	vshll.u32 v2, $0x7  }
0x39: {  	v62 =	vshrl.u32 v7, $0x5;
	v2 =	vand.u32 $0x380, v2;
	v4 =	vadd.s32 v5, v4  }
0x3a: {  	v1 =	vand.u32 $0x1F, v1;
	v63 =	vand.u32 $0x7F, v62;
	v2 =	vor.u32 v2, v4  }
0x3b: {  	v1 =	vshrl.u32 v3, v1;
	v2 =	vor.u32 v63, v2  }
0x3c: {  	v1 =	vand.u32 $0x1, v1  }
0x3d: {  	v1 =	vcvt.s32.f32 v1;
	_ =	sdelay $0x1  }
0x3e: {  	[tilespmem:s13+$0x9000] =	vst v1  }
0x3f: {  	v1 =	vld.idx.msk [tilespmem:v2+s2+$0x0], $0xffff;
	_ =	sdelay $0x3  }
0x40: {  	v2 =	vand.u32 $0x1F, v7  }
0x41: {  	v1 =	vshrl.u32 v1, v2  }
0x42: {  	v1 =	vand.u32 $0x1, v1  }
0x43: {  	s12 =	sadd.s32 $0x1, s12;
	v1 =	vcvt.s32.f32 v1  }
0x44: {  	p0 =	sne.s32 s12, s6  }
.Ltmp1:
0x45: {  	[tilespmem:s15+$0x9000] =	vst v1;
	(pc) =	sbr.rel @p0 .LBB2_1-.Ltmp1, $4  }
0x46: {  	[hbm4b:s5+s8] =	stream.strided.scatter [tilespmem:s11], [sflag:$0x1], $0x2000, s9, s8, $0x38;
	[tilespmem:$0xB000] =	vst v63  }
0x47: {  	_ =	swait.ge [sflag:s7], $0x2000  }
0x48: {  	[sflag:s7] =	ssyncset.done $0x0  }
0x49: {  	[sflag:s7] =	ssyncadd.s32 $0xFFFFE000  }
0x4a: {  	_ =	sfence.sel $0x180000  }
0x4b: {  	[bflag:$0x0] =	sbarrier.arrive $0xFFFF  }
0x4c: {  	p0 =	sne.s32 s0, $0x0;
	_ =	strace $0x9000004D  }
0x4d: {  	s0 =	sadd.s32 @!p0 $0x100000, s1;
	[bflag:$0x2] =	sbarrier.arrive $0xFFFF  }
0x4e: {  	[sflag:s0] =	ssyncadd.tile.s32 @!p0 $0x1;
	_ =	shalt  }
.Lfunc_end2:
_tile_overlayer_lowered:
.L_overlay_start_2:
0x4f: {  	(tag) =	ssettag $0x2  }
0x50: {  	s0 =	rddreg [dreg:$0x0];
	s2 =	stileid.u32  }
0x51: {  	s1 =	rddreg [dreg:$0x1];
	p0 =	sne.s32 s2, $0x0  }
0x52: {  	s3 =	rddreg [dreg:$0x2];
	[bflag:$0x3] =	sbarrier.arrive $0xFFFF;
	s2 =	simm.s32 @!p0 $0x1C01  }
0x53: {  	[timem:s3], [sflag:s2] =	dma.local @!p0 [hbm:s0], s1  }
0x54: {  	s0 =	simm.s32 @!p0 $0x1  }
0x55: {  	_ =	swait.ge @!p0 [sflag:s0], s1  }
0x56: {  	s1 =	ssub.s32 @!p0 $0x0, s1;
	[sflag:s0] =	ssyncset.done @!p0 $0x0  }
0x57: {  	[sflag:s0] =	ssyncadd.s32 @!p0 s1  }
0x58: {  	[bflag:$0x3] =	sbarrier.arrive $0xFFFF  }
0x59: {  	_ =	shalt  }

// kernel: kernel.20.cloned.1.call-start
scs
__scs_entry_jumppad:
0x0: {  	(pc) =	sbr.rel $0x88, $3  }
0x1: {  	(tag) =	ssettag $0x0;
	lr =	simm.s32 $0x1  }
0x2: {  	[smem:$0x3F9D] =	sst lr;
	_ =	strace $0xD0000000  }
0x3: {  	_ = 	snop  }
0x4: {  	_ = 	snop  }
0x5: {  	_ = 	snop  }
0x6: {  	_ = 	snop  }
0x7: {  	_ = 	snop  }
__scs_overlays_trampoline_lowered:
0x8: {  	[smem:$0x3FAC] =	sst s0  }
0x9: {  	[smem:$0x3FAD] =	sst s1  }
0xa: {  	[smem:$0x3FAE] =	sst s2  }
0xb: {  	[smem:$0x3FAF] =	sst s3  }
0xc: {  	[smem:$0x3FB0] =	sst s4  }
0xd: {  	[smem:$0x3FB1] =	sst s5  }
0xe: {  	[smem:$0x3FB2] =	sst s6  }
0xf: {  	[smem:$0x3FB3] =	sst s7  }
0x10: {  	[smem:$0x3FB4] =	sst s8  }
0x11: {  	[smem:$0x3FB5] =	sst s9;
	s0 =	simm.s32 @!p0 $0x0  }
0x12: {  	s1 =	sld [smem:$0x3F9B];
	s0 =	simm.s32 @p0 $0x1  }
0x13: {  	[smem:$0x3FB6] =	sst s0;
	s0 =	simm.s32 @!p1 $0x0  }
0x14: {  	s2 =	sld [smem:$0x3F9A];
	s0 =	simm.s32 @p1 $0x1  }
0x15: {  	[smem:$0x3FB7] =	sst s0;
	s0 =	simm.s32 @!p2 $0x0  }
0x16: {  	s3 =	sld [smem:$0x3FDB];
	s0 =	simm.s32 @p2 $0x1  }
0x17: {  	s4 =	simm.s32 $0x1BF5;
	[smem:$0x3FB9] =	sst s0  }
0x18: {  	s0 =	sld [smem:$0x3F9C];
	_ =	swait.ge [sflag:s4], $0x0  }
0x19: {  	s7 =	sld [smem:$0x3F9D]  }
0x1a: {  	s8 =	sadd.s32 $0xFFFFE003, lr  }
0x1b: {  	s9 =	sadd.s32 $0xFFFFFEF7, lr;
	s5 =	simm.s32 $0xFFFFFFFF;
	p2 =	slt.u32 s8, $0xFFFFF086  }
0x1c: {  	p1 =	slt.u32 s9, $0xF7A;
	s5 =	simm.s32 @!p2 $0x0  }
0x1d: {  	s5 =	simm.s32 @p1 $0x1;
	p0 =	seq.s32 s7, s2  }
0x1e: {  	s7 =	smul.u32 @!p0 $0xF7A, s2;
	p2 =	seq.s32 @!p0 s5, $0x0  }
0x1f: {  	s9 =	smul.u32 $0xF7A, s1;
	s8 =	simm.s32 @!p0 $0x1BF5;
	p2 =	por !p2, p0  }
0x20: {  	[sflag:s8] =	ssyncset.s32 @!p0 $0xFFFFF086;
	s6 =	sadd.s32 @!p0 s3, s7;
	s7 =	simm.s32 @!p0 $0x108  }
0x21: {  	s3 =	sadd.s32 s3, s9;
	s6 =	sadd.s32 @!p0 $0x88, s6;
	s7 =	simm.s32 @p2 $0x1082  }
0x22: {  	[simem:s7], [sflag:s8] =	dma.local @!p0 [hbm:s6], $0xF7A  }
0x23: {  	s9 =	sor.u32 $0xD0000000, s2;
	s6 =	simm.s32 $0x108;
	_ =	swait.ge @!p0 [sflag:s8], $0x0  }
0x24: {  	s3 =	sadd.s32 $0x88, s3;
	s6 =	simm.s32 @!p1 $0x1082;
	[sflag:s4] =	ssyncset.s32 $0xFFFFF086  }
0x25: {  	[simem:s6], [sflag:s4] =	dma.local [hbm:s3], $0xF7A  }
0x26: {  	[smem:$0x3F9D] =	sst s1;
	(tag) =	ssettag s2;
	_ =	strace s9  }
0x27: {  	s1 =	sld [smem:$0x3FAD]  }
0x28: {  	s2 =	sld [smem:$0x3FAE]  }
0x29: {  	s4 =	sld [smem:$0x3FB0]  }
0x2a: {  	p0 =	seq.s32 s5, $0x0;
	s5 =	sld [smem:$0x3FB1]  }
0x2b: {  	s6 =	sld [smem:$0x3FB2]  }
0x2c: {  	s7 =	sld [smem:$0x3FB3]  }
0x2d: {  	s3 =	simm.s32 $0x108;
	s8 =	sld [smem:$0x3FB4]  }
0x2e: {  	s3 =	simm.s32 @!p0 $0x1082;
	s9 =	sld [smem:$0x3FB5]  }
0x2f: {  	lr =	sadd.s32 s0, s3;
	s0 =	sld [smem:$0x3FAC]  }
0x30: {  	s3 =	sld [smem:$0x3FAF]  }
0x31: {  	[smem:$0x3FB8] =	sst s10  }
0x32: {  	s10 =	sld [smem:$0x3FB6];
	_ =	sdelay $0x3  }
0x33: {  	p0 =	seq.s32 s10, $0x1;
	s10 =	sld [smem:$0x3FB8];
	_ =	sdelay $0x3  }
0x34: {  	[smem:$0x3FB8] =	sst s10  }
0x35: {  	s10 =	sld [smem:$0x3FB7];
	_ =	sdelay $0x3  }
0x36: {  	p1 =	seq.s32 s10, $0x1;
	s10 =	sld [smem:$0x3FB8];
	_ =	sdelay $0x3  }
0x37: {  	[smem:$0x3FB8] =	sst s10  }
0x38: {  	s10 =	sld [smem:$0x3FB9]  }
0x39: {  	_ = 	snop;
	(pc) =	sbr.ind lr, $3  }
0x3a: {  	_ = 	snop  }
0x3b: {  	_ = 	snop  }
0x3c: {  	p2 =	seq.s32 s10, $0x1;
	s10 =	sld [smem:$0x3FB8]  }
0x3d: {  	_ =	shalt  }
0x3e: {  	_ =	shalt  }
0x3f: {  	_ =	shalt  }
0x40: {  	_ =	shalt  }
0x41: {  	_ =	shalt  }
0x42: {  	_ =	shalt  }
0x43: {  	_ =	shalt  }
0x44: {  	_ =	shalt  }
0x45: {  	_ =	shalt  }
0x46: {  	_ =	shalt  }
0x47: {  	_ =	shalt  }
0x48: {  	_ =	shalt  }
0x49: {  	_ =	shalt  }
0x4a: {  	_ =	shalt  }
0x4b: {  	_ =	shalt  }
0x4c: {  	_ =	shalt  }
0x4d: {  	_ =	shalt  }
0x4e: {  	_ =	shalt  }
0x4f: {  	_ =	shalt  }
0x50: {  	_ =	shalt  }
0x51: {  	_ =	shalt  }
0x52: {  	_ =	shalt  }
0x53: {  	_ =	shalt  }
0x54: {  	_ =	shalt  }
0x55: {  	_ =	shalt  }
0x56: {  	_ =	shalt  }
0x57: {  	_ =	shalt  }
0x58: {  	_ =	shalt  }
0x59: {  	_ =	shalt  }
0x5a: {  	_ =	shalt  }
0x5b: {  	_ =	shalt  }
0x5c: {  	_ =	shalt  }
0x5d: {  	_ =	shalt  }
0x5e: {  	_ =	shalt  }
0x5f: {  	_ =	shalt  }
0x60: {  	_ =	shalt  }
0x61: {  	_ =	shalt  }
0x62: {  	_ =	shalt  }
0x63: {  	_ =	shalt  }
0x64: {  	_ =	shalt  }
0x65: {  	_ =	shalt  }
0x66: {  	_ =	shalt  }
0x67: {  	_ =	shalt  }
0x68: {  	_ =	shalt  }
0x69: {  	_ =	shalt  }
0x6a: {  	_ =	shalt  }
0x6b: {  	_ =	shalt  }
0x6c: {  	_ =	shalt  }
0x6d: {  	_ =	shalt  }
0x6e: {  	_ =	shalt  }
0x6f: {  	_ =	shalt  }
0x70: {  	_ =	shalt  }
0x71: {  	_ =	shalt  }
0x72: {  	_ =	shalt  }
0x73: {  	_ =	shalt  }
0x74: {  	_ =	shalt  }
0x75: {  	_ =	shalt  }
0x76: {  	_ =	shalt  }
0x77: {  	_ =	shalt  }
0x78: {  	_ =	shalt  }
0x79: {  	_ =	shalt  }
0x7a: {  	_ =	shalt  }
0x7b: {  	_ =	shalt  }
0x7c: {  	_ =	shalt  }
0x7d: {  	_ =	shalt  }
0x7e: {  	_ =	shalt  }
0x7f: {  	_ =	shalt  }
0x80: {  	_ =	shalt  }
0x81: {  	_ =	shalt  }
0x82: {  	_ =	shalt  }
0x83: {  	_ =	shalt  }
0x84: {  	_ =	shalt  }
0x85: {  	_ =	shalt  }
0x86: {  	_ =	shalt  }
0x87: {  	_ =	shalt  }
.Lfunc_end0:
.L_simem_size_0:
called_computation.3_lowered:
.L_overlay_start_0:
0x88: {  	s2 =	sld [smem:$0x3FD9]  }
0x89: {  	s3 =	sld [smem:$0x3FFE];
	_ =	sdelay $0x1  }
0x8a: {  	s1 =	srdreg.scid  }
0x8b: {  	s0 =	sand.u32 $0x1, s1  }
0x8c: {  	s17 =	sshll.u32 s0, $0xA;
	s2 =	sadd.s32 s3, s2  }
0x8d: {  	s2 =	sadd.s32 s2, s17  }
0x8e: {  	[smem:$0x3FC4] =	sst s2  }
0x8f: {  	_ = 	snop  }
0x90: {  	s18 =	sld [smem:$0x3FD0];
	(tm) =	ssettm $0x1  }
0x91: {  	s19 =	sld [smem:$0x3FFB];
	_ =	sdelay $0x3  }
0x92: {  	_ =	strace s19  }
0x93: {  	s2 =	sld [smem:$0x3FFC];
	_ =	sdelay $0x3  }
0x94: {  	_ =	strace s2  }
0x95: {  	s2 =	sld [smem:$0x3FFD];
	_ =	sdelay $0x3  }
0x96: {  	_ =	strace s2  }
0x97: {  	_ =	strace $0x8FFFFFFF  }
0x98: {  	s20 =	sld [smem:$0x3FDB];
	_ =	sdelay $0x1  }
0x99: {  	s4 =	simm.s32 $_scs_section_size  }
0x9a: {  	s5 =	simm.s32 $_size__tile_overlayer_lowered;
	s6 =	simm.s32 $_tile_overlayer_lowered  }
0x9b: {  	s7 =	simm.s32 $0x1BFF;
	s21 =	sshll.u32 s6, $0x1;
	s4 =	sadd.s32 s4, s20  }
0x9c: {  	s22 =	simm.s32 $0x0;
	s5 =	sshll.u32 s5, $0x1;
	s6 =	sadd.s32 s21, s4  }
0x9d: {  	[timem:s22], [sflag:s7] =	dma.local [hbm:s6], s5  }
0x9e: {  	_ =	swait.ge [sflag:s7], s5  }
0x9f: {  	s5 =	ssub.s32 $0x0, s5;
	[sflag:s7] =	ssyncset.done $0x0  }
0xa0: {  	[sflag:s7] =	ssyncadd.s32 s5;
	_ =	sdelay $0x1  }
0xa1: {  	s23 =	simm.s32 $0x1B8B  }
0xa2: {  	_ =	swait.ge [sflag:s23], $0x1  }
0xa3: {  	[sflag:s23] =	ssyncset.done $0x0  }
0xa4: {  	[sflag:s23] =	ssyncadd.s32 $0xFFFFFFFF  }
0xa5: {  	s5 =	sld [smem:$0x0]  }
0xa6: {  	s6 =	sand.u32 $0xFFFFFFFE, s1  }
0xa7: {  	p0 =	sne.s32 s1, s6  }
0xa8: {  	s6 =	sshll.u32 @p0 s6, $0xE  }
0xa9: {  	s6 =	sadd.s32 @p0 $0x11B8D, s6;
	s7 =	sshll.u32 @p0 s5, $0x11  }
0xaa: {  	s6 =	sor.u32 @p0 s7, s6  }
0xab: {  	[sflag:s6] =	ssyncadd.remote.s32 @p0 $0x1;
	_ =	sdelay $0x1  }
0xac: {  	s6 =	simm.s32 @p0 $0x1B8D  }
0xad: {  	_ =	swait.eq @p0 [sflag:s6], $0x1  }
0xae: {  	[sflag:s6] =	ssyncadd.s32 @p0 $0xFFFFFFFF  }
0xaf: {  	s7 =	sshll.u32 @!p0 s1, $0xE  }
0xb0: {  	s7 =	sor.u32 @!p0 $0x4000, s7;
	s6 =	simm.s32 @!p0 $0x1B8D  }
0xb1: {  	s5 =	sshll.u32 @!p0 s5, $0x11;
	s7 =	sadd.s32 @!p0 $0x11B8D, s7;
	_ =	swait.eq @!p0 [sflag:s6], $0x1  }
0xb2: {  	s5 =	sor.u32 @!p0 s5, s7;
	[sflag:s6] =	ssyncadd.s32 @!p0 $0xFFFFFFFF  }
0xb3: {  	s25 =	simm.s32 $0x1B8E;
	s24 =	sld [smem:$0x3FFE];
	[sflag:s5] =	ssyncadd.remote.s32 @!p0 $0x1  }
0xb4: {  	s26 =	simm.s32 $execute0_lowered;
	[smem:$0x3FD2] =	sst s25  }
0xb5: {  	s6 =	sshll.u32 s26, $0x1;
	_ =	strace $0x8000004F;
	[dreg:$0x1] =	wrdreg $0xFFFFFFFF  }
0xb6: {  	s28 =	simm.s32 $_size_execute0_lowered;
	s4 =	sadd.s32 s4, s6;
	[dreg:$0x0] =	wrdreg $0x0  }
0xb7: {  	s6 =	sshll.u32 s28, $0x1;
	[dreg:$0x2] =	wrdreg s4  }
0xb8: {  	[dreg:$0x3] =	wrdreg s6  }
0xb9: {  	[dreg:$0x4] =	wrdreg $0xC0  }
0xba: {  	_ =	task [dreg:s22], $0x5FFFF  }
0xbb: {  	[dreg:$0x1] =	wrdreg $0xFFFFFFFF  }
0xbc: {  	[dreg:$0x0] =	wrdreg $0x60  }
0xbd: {  	[dreg:$0x2] =	wrdreg s24  }
0xbe: {  	[dreg:$0x3] =	wrdreg s18  }
0xbf: {  	[dreg:$0x4] =	wrdreg $0xC  }
0xc0: {  	_ =	task.clear_ibuf [dreg:s22], $0x5FFFF;
	_ =	strace $0x9000004F  }
0xc1: {  	s29 =	simm.s32 $0xC;
	_ =	strace $0x80000051  }
0xc2: {  	_ =	swait.ge [sflag:s29], $0x1  }
0xc3: {  	[sflag:s29] =	ssyncadd.s32 $0xFFFFFFFF  }
0xc4: {  	_ =	strace $0x90000051  }
0xc5: {  	_ =	sfence  }
0xc6: {  	s30 =	sld [smem:$0x0];
	_ =	sdelay $0x2  }
0xc7: {  	s31 =	sshll.u32 s1, $0xD;
	s1 =	sshrl.u32 s1, $0x2  }
0xc8: {  	s4 =	sand.u32 $0x4000, s31;
	s1 =	sadd.s32 s1, s30  }
0xc9: {  	s0 =	sor.u32 s4, s0;
	s1 =	sshll.u32 s1, $0x11  }
0xca: {  	s0 =	sor.u32 s1, s0  }
0xcb: {  	s0 =	sadd.s32 $0x8F2B, s0  }
0xcc: {  	[sflag:s0] =	ssyncadd.remote.s32 $0x1  }
0xcd: {  	_ =	sfence.sel $0xFFFF  }
0xce: {  	[dreg:$0x0] =	wrdreg $0xFFFFFFFF;
	(pc) =	sbr.abs _section_cstart, $3  }
0xcf: {  	[dreg:$0x1] =	wrdreg $0xFFFFFFFF  }
0xd0: {  	_ =	task.clear_ibuf [dreg:s22], $0x2FFFF;
	_ =	strace $0x9FFFFFFF  }
0xd1: {  	(tm) =	ssettm $0x7FFFFFFF  }
tec
execute0_lowered:
.L_overlay_start_1:
0x0: {  	(tag) =	ssettag $0x1  }
0x1: {  	s1 =	srdreg.scid;
	s4 =	rddreg [dreg:$0x0]  }
0x2: {  	s0 =	stileid.u32;
	s6 =	rddreg [dreg:$0x1]  }
0x3: {  	s2 =	simm.s32 $0x0;
	s11 =	simm.s32 $0x9000;
	s12 =	simm.s32 $0x0  }
0x4: {  	s3 =	sand.u32 $0x1, s1;
	s28 =	sshll.u32 s0, $0x1;
	s1 =	rddreg [dreg:$0x2]  }
0x5: {  	s29 =	sshrl.u32 s0, $0x1;
	[smem:$0x7FF] =	sst s2;
	s5 =	sor.u32 s3, s28  }
0x6: {  	s10 =	sshll.u32 s0, $0xB;
	s8 =	smul.u32 $0x1C000, s29;
	s7 =	sand.u32 $0x3, s5  }
0x7: {  	s3 =	ssub.s32 $0x2, s3;
	s5 =	sshll.u32 s5, $0x4;
	s9 =	smul.u32 $0x7000, s7  }
0x8: {  	_ =	strace $0x80000050;
	s30 =	sshrl.u32 s3, $0x1;
	s5 =	sor.u32 s10, s5  }
0x9: {  	s31 =	smul.u32 $0xFFFFFFE7, s7;
	s7 =	simm.s32 $0x1;
	s8 =	sadd.s32 s8, s9  }
0xa: {  	s10 =	simm.s32 $0x7000;
	s5 =	sand.u32 $0x6070, s5;
	s8 =	sshrl.u32 s8, $0x3  }
0xb: {  	s9 =	ssub.s32 s3, s30;
	s8 =	sadd.s32 s8, s4;
	s4 =	sadd.s32 s5, s4  }
0xc: {  	s5 =	sadd.s32 s6, s5;
	s6 =	smax.u32 s9, $0x1;
	s9 =	simm.s32 $0x400  }
0xd: {  	v0 =	vmov s31;
	s3 =	sadd.s32 $0x8E200, s8;
	s4 =	sadd.s32 $0x36200, s4;
	s8 =	simm.s32 $0x80  }
.LBB2_1:
0xe: {  	[tilespmem:s2], [sflag:$0x1] =	stream.linear.gather [hbm4b:s3+s2], $0x7000, $0x38;
	[tilespmem:$0xB000] =	vst v63  }
0xf: {  	_ =	swait.ge [sflag:s7], $0x7000  }
0x10: {  	[sflag:s7] =	ssyncset.done $0x0  }
0x11: {  	[sflag:s7] =	ssyncadd.s32 $0xFFFF9000  }
0x12: {  	[tilespmem:s10], [sflag:$0x1] =	stream.strided.gather [hbm4b:s4+s8], $0x2000, s9, s8, $0x38;
	[tilespmem:$0xB000] =	vst v63  }
0x13: {  	_ =	swait.ge [sflag:s7], $0x2000  }
0x14: {  	[sflag:s7] =	ssyncset.done $0x0  }
0x15: {  	s14 =	simm.s32 $0x0;
	[sflag:s7] =	ssyncadd.s32 $0xFFFFE000  }
0x16: {  	v2 =	vld [tilespmem:s14+$0x7000];
	_ =	sdelay $0x4  }
0x17: {  	v1 =	vshra.s32 v2, $0xF  }
0x18: {  	v3 =	vadd.s32 v0, v1  }
0x19: {  	v4 =	vshrl.u32 v3, $0x3  }
0x1a: {  	v5 =	vshrl.u32 v2, $0x2;
	v4 =	vmul.u32 $0x1C00, v4  }
0x1b: {  	s13 =	simm.s32 $0x10;
	v5 =	vand.u32 $0x1C00, v5;
	v3 =	vshll.u32 v3, $0x7  }
0x1c: {  	v6 =	vshrl.u32 v2, $0x5;
	v1 =	vld [tilespmem:s13+$0x7000];
	v3 =	vand.u32 $0x380, v3;
	v4 =	vadd.s32 v5, v4  }
0x1d: {  	v5 =	vand.u32 $0x7F, v6;
	v3 =	vor.u32 v3, v4  }
0x1e: {  	v3 =	vor.u32 v5, v3;
	_ =	sdelay $0x2  }
0x1f: {  	v4 =	vshra.s32 v1, $0xF  }
0x20: {  	v4 =	vadd.s32 v0, v4  }
0x21: {  	v5 =	vshrl.u32 v4, $0x3;
	v3 =	vld.idx.msk [tilespmem:v3+s2+$0x0], $0xffff  }
0x22: {  	v6 =	vshrl.u32 v1, $0x2;
	v5 =	vmul.u32 $0x1C00, v5  }
0x23: {  	v6 =	vand.u32 $0x1C00, v6;
	v7 =	vshll.u32 v4, $0x7  }
0x24: {  	s15 =	simm.s32 $0x20;
	s16 =	simm.s32 $0xC0;
	v4 =	vshrl.u32 v1, $0x5;
	v5 =	vadd.s32 v6, v5;
	v6 =	vand.u32 $0x380, v7  }
.LBB2_2:
0x25: {  	p0 =	sne.s32 s16, $0x7FC0;
	v4 =	vand.u32 $0x7F, v4;
	v5 =	vor.u32 v6, v5;
	v6 =	vand.u32 $0x1F, v2;
	v2 =	vmovc v1;
	v1 =	vld [tilespmem:s15+$0x7000]  }
0x26: {  	v4 =	vor.u32 v4, v5;
	v3 =	vshrl.u32 v3, v6  }
0x27: {  	v3 =	vand.u32 $0x1, v3  }
0x28: {  	v3 =	vcvt.s32.f32 v3;
	_ =	sdelay $0x1  }
0x29: {  	v5 =	vshra.s32 v1, $0xF;
	[tilespmem:s14+$0x9000] =	vst v3;
	s14 =	smov.u32 s13;
	s13 =	smov.u32 s15  }
.Ltmp0:
0x2a: {  	v5 =	vadd.s32 v0, v5;
	v3 =	vld.idx.msk [tilespmem:v4+s2+$0x0], $0xffff;
	(pc) =	sbr.rel @p0 .LBB2_2-.Ltmp0, $4  }
0x2b: {  	v4 =	vshrl.u32 v5, $0x3  }
0x2c: {  	v6 =	vmul.u32 $0x1C00, v4;
	v4 =	vshrl.u32 v1, $0x2  }
0x2d: {  	v8 =	vshll.u32 v5, $0x7;
	v7 =	vand.u32 $0x1C00, v4  }
0x2e: {  	s15 =	sshra.s32 s16, $0x2;
	s16 =	sadd.s32 $0x40, s16;
	v4 =	vshrl.u32 v1, $0x5;
	v5 =	vadd.s32 v7, v6;
	v6 =	vand.u32 $0x380, v8  }
0x2f: {  	v7 =	vld [tilespmem:s15+$0x7000]  }
0x30: {  	v4 =	vand.u32 $0x7F, v4;
	v5 =	vor.u32 v6, v5;
	v2 =	vand.u32 $0x1F, v2  }
0x31: {  	v4 =	vor.u32 v4, v5;
	v2 =	vshrl.u32 v3, v2  }
0x32: {  	v2 =	vand.u32 $0x1, v2  }
0x33: {  	v2 =	vcvt.s32.f32 v2  }
0x34: {  	v3 =	vshra.s32 v7, $0xF  }
0x35: {  	[tilespmem:s14+$0x9000] =	vst v2;
	v2 =	vadd.s32 v0, v3  }
0x36: {  	v3 =	vld.idx.msk [tilespmem:v4+s2+$0x0], $0xffff;
	v60 =	vshrl.u32 v2, $0x3  }
0x37: {  	v61 =	vshrl.u32 v7, $0x2;
	v4 =	vmul.u32 $0x1C00, v60  }
0x38: {  	v5 =	vand.u32 $0x1C00, v61;
	v2 =	vshll.u32 v2, $0x7  }
0x39: {  	v62 =	vshrl.u32 v7, $0x5;
	v2 =	vand.u32 $0x380, v2;
	v4 =	vadd.s32 v5, v4  }
0x3a: {  	v1 =	vand.u32 $0x1F, v1;
	v63 =	vand.u32 $0x7F, v62;
	v2 =	vor.u32 v2, v4  }
0x3b: {  	v1 =	vshrl.u32 v3, v1;
	v2 =	vor.u32 v63, v2  }
0x3c: {  	v1 =	vand.u32 $0x1, v1  }
0x3d: {  	v1 =	vcvt.s32.f32 v1;
	_ =	sdelay $0x1  }
0x3e: {  	[tilespmem:s13+$0x9000] =	vst v1  }
0x3f: {  	v1 =	vld.idx.msk [tilespmem:v2+s2+$0x0], $0xffff;
	_ =	sdelay $0x3  }
0x40: {  	v2 =	vand.u32 $0x1F, v7  }
0x41: {  	v1 =	vshrl.u32 v1, v2  }
0x42: {  	v1 =	vand.u32 $0x1, v1  }
0x43: {  	s12 =	sadd.s32 $0x1, s12;
	v1 =	vcvt.s32.f32 v1  }
0x44: {  	p0 =	sne.s32 s12, s6  }
.Ltmp1:
0x45: {  	[tilespmem:s15+$0x9000] =	vst v1;
	(pc) =	sbr.rel @p0 .LBB2_1-.Ltmp1, $4  }
0x46: {  	[hbm4b:s5+s8] =	stream.strided.scatter [tilespmem:s11], [sflag:$0x1], $0x2000, s9, s8, $0x38;
	[tilespmem:$0xB000] =	vst v63  }
0x47: {  	_ =	swait.ge [sflag:s7], $0x2000  }
0x48: {  	[sflag:s7] =	ssyncset.done $0x0  }
0x49: {  	[sflag:s7] =	ssyncadd.s32 $0xFFFFE000  }
0x4a: {  	_ =	sfence.sel $0x180000  }
0x4b: {  	[bflag:$0x0] =	sbarrier.arrive $0xFFFF  }
0x4c: {  	p0 =	sne.s32 s0, $0x0;
	_ =	strace $0x90000050  }
0x4d: {  	s0 =	sadd.s32 @!p0 $0x100000, s1;
	[bflag:$0x2] =	sbarrier.arrive $0xFFFF  }
0x4e: {  	[sflag:s0] =	ssyncadd.tile.s32 @!p0 $0x1;
	_ =	shalt  }
.Lfunc_end2:
_tile_overlayer_lowered:
.L_overlay_start_2:
0x4f: {  	(tag) =	ssettag $0x2  }
0x50: {  	s0 =	rddreg [dreg:$0x0];
	s2 =	stileid.u32  }
0x51: {  	s1 =	rddreg [dreg:$0x1];
	p0 =	sne.s32 s2, $0x0  }
0x52: {  	s3 =	rddreg [dreg:$0x2];
	[bflag:$0x3] =	sbarrier.arrive $0xFFFF;
	s2 =	simm.s32 @!p0 $0x1C01  }
0x53: {  	[timem:s3], [sflag:s2] =	dma.local @!p0 [hbm:s0], s1  }
0x54: {  	s0 =	simm.s32 @!p0 $0x1  }
0x55: {  	_ =	swait.ge @!p0 [sflag:s0], s1  }
0x56: {  	s1 =	ssub.s32 @!p0 $0x0, s1;
	[sflag:s0] =	ssyncset.done @!p0 $0x0  }
0x57: {  	[sflag:s0] =	ssyncadd.s32 @!p0 s1  }
0x58: {  	[bflag:$0x3] =	sbarrier.arrive $0xFFFF  }
0x59: {  	_ =	shalt  }

</sc_bundles>
